<compile_context>
chip_gen: v7x
topology: tpu7x:2x2x1
jax: 0.10.2.dev20260603
libtpu: 0.0.44.dev20260713+nightly
codegen_flags: <defaults>
</compile_context>

<pallas_src>
import functools

import jax
import jax.numpy as jnp
from jax import lax
from jax.experimental import pallas as pl
from jax.experimental.pallas import tpu as pltpu
from jax.experimental.pallas import tpu_sc as plsc

N = 10000
D = 128
E = 320000

NC = 2
NS = 16
NW = NC * NS

NP = 10240
CHUNK = 128
CHUNKS_PER_W = 80
EW = CHUNKS_PER_W * CHUNK
EP = NW * EW
ROWS_PER_TILE = NP // NS

CH0 = 120
CH1 = 40

BM = 1024
GRID = NP // BM

_mesh = plsc.VectorSubcoreMesh(core_axis_name="c", subcore_axis_name="s")


@functools.partial(
    pl.kernel,
    out_type=jax.ShapeDtypeStruct((NW, NP), jnp.float32),
    mesh=_mesh,
    compiler_params=pltpu.CompilerParams(needs_layout_passes=False),
    scratch_types=[
        pltpu.VMEM((CHUNKS_PER_W, CHUNK), jnp.int32),
        pltpu.VMEM((NP,), jnp.float32),
    ],
)
def _deg_kernel(dst_hbm, zeros_hbm, out_hbm, idx_v, hist_v):
    c = lax.axis_index("c")
    s = lax.axis_index("s")
    wid = s * NC + c
    pltpu.sync_copy(zeros_hbm, hist_v)
    pltpu.sync_copy(dst_hbm.at[pl.ds(wid * CHUNKS_PER_W, CHUNKS_PER_W)], idx_v)
    ones = jnp.ones((16,), jnp.float32)

    def body(i, carry):
        r = i // (CHUNK // 16)
        k = i % (CHUNK // 16)
        idx = idx_v[r, pl.ds(k * 16, 16)]
        plsc.addupdate_scatter(hist_v, [idx], ones)
        return carry

    lax.fori_loop(0, EW // 16, body, 0, unroll=8)
    pltpu.sync_copy(hist_v, out_hbm.at[wid])


@functools.partial(
    pl.kernel,
    out_type=jax.ShapeDtypeStruct((NC, NP, D), jnp.float32),
    mesh=_mesh,
    compiler_params=pltpu.CompilerParams(needs_layout_passes=False),
    scratch_types=[
        [pltpu.VMEM((CHUNK,), jnp.int32) for _ in range(2)],
        [pltpu.VMEM((CHUNK,), jnp.int32) for _ in range(2)],
        [pltpu.VMEM((CHUNK, D), jnp.float32) for _ in range(2)],
        pltpu.VMEM_SHARED((NP, D), jnp.float32),
        [pltpu.SemaphoreType.DMA for _ in range(2)],
        [pltpu.SemaphoreType.DMA for _ in range(2)],
        [pltpu.SemaphoreType.DMA for _ in range(2)],
    ],
)
def _agg_kernel(g_hbm, src_hbm, dst_hbm, zrow_hbm, out_hbm,
                sbuf, dbuf, rows, table, gsem, isem, dsem):
    c = lax.axis_index("c")
    s = lax.axis_index("s")

    cnt = lax.select(c == 0, CH0, CH1)
    start = s * (CH0 + CH1) + lax.select(c == 0, 0, CH0)

    pltpu.sync_copy(zrow_hbm, table.at[pl.ds(s * ROWS_PER_TILE, ROWS_PER_TILE)])
    plsc.subcore_barrier()

    def start_sidx(q, b):
        pltpu.async_copy(src_hbm.at[q], sbuf[b], isem[b])

    def wait_sidx(b):
        pltpu.make_async_copy(src_hbm.at[0], sbuf[b], isem[b]).wait()

    def start_didx(q, b):
        pltpu.async_copy(dst_hbm.at[q], dbuf[b], dsem[b])

    def wait_didx(b):
        pltpu.make_async_copy(dst_hbm.at[0], dbuf[b], dsem[b]).wait()

    def start_gather(b):
        pltpu.async_copy(g_hbm.at[sbuf[b]], rows[b], gsem[b])

    def wait_gather(b):
        pltpu.make_async_copy(g_hbm.at[sbuf[b]], rows[b], gsem[b]).wait()

    def substep(q, jr, b):
        nb = 1 - b
        wait_gather(b)

        @pl.when(jr + 1 < cnt)
        def _():
            wait_sidx(nb)
            start_gather(nb)

        wait_didx(b)
        pltpu.sync_copy(rows[b], table.at[dbuf[b]], add=True)

        @pl.when(jr + 2 < cnt)
        def _():
            start_sidx(q + 2, b)
            start_didx(q + 2, b)

    start_sidx(start, 0)
    start_sidx(start + 1, 1)
    start_didx(start, 0)
    start_didx(start + 1, 1)
    wait_sidx(0)
    start_gather(0)

    def grp(g, carry):
        q = start + 2 * g
        substep(q, 2 * g, 0)
        substep(q + 1, 2 * g + 1, 1)
        return carry

    lax.fori_loop(0, cnt // 2, grp, 0)

    plsc.subcore_barrier()
    pltpu.sync_copy(table.at[pl.ds(s * ROWS_PER_TILE, ROWS_PER_TILE)],
                    out_hbm.at[c, pl.ds(s * ROWS_PER_TILE, ROWS_PER_TILE)])


def _tc1a_body(x_ref, w_ref, h_ref):
    h_ref[...] = jnp.dot(x_ref[...], w_ref[...],
                         preferred_element_type=jnp.float32)


def _tc1a(x_pad, W1):
    return pl.pallas_call(
        _tc1a_body,
        grid=(GRID,),
        in_specs=[
            pl.BlockSpec((BM, D), lambda i: (i, 0)),
            pl.BlockSpec((D, D), lambda i: (0, 0)),
        ],
        out_specs=pl.BlockSpec((BM, D), lambda i: (i, 0)),
        out_shape=jax.ShapeDtypeStruct((NP, D), jnp.float32),
    )(x_pad, W1)


def _tc1b_body(degp_ref, h_ref, g_ref, dis_ref):
    deg = jnp.sum(degp_ref[...], axis=0) + 1.0
    dis = lax.rsqrt(deg)
    g_ref[...] = h_ref[...] * dis[:, None]
    dis_ref[...] = dis[:, None]


def _tc1b(deg_parts, h1):
    return pl.pallas_call(
        _tc1b_body,
        grid=(GRID,),
        in_specs=[
            pl.BlockSpec((NW, BM), lambda i: (0, i)),
            pl.BlockSpec((BM, D), lambda i: (i, 0)),
        ],
        out_specs=[
            pl.BlockSpec((BM, D), lambda i: (i, 0)),
            pl.BlockSpec((BM, 1), lambda i: (i, 0)),
        ],
        out_shape=[
            jax.ShapeDtypeStruct((NP, D), jnp.float32),
            jax.ShapeDtypeStruct((NP, 1), jnp.float32),
        ],
    )(deg_parts, h1)


def _tc2_body(p_ref, g1_ref, dis_ref, w_ref, b_ref, g2_ref):
    dis = dis_ref[...]
    agg = p_ref[0] + p_ref[1] + g1_ref[...]
    out1 = jnp.maximum(dis * agg + b_ref[...], 0.0)
    rows = (lax.broadcasted_iota(jnp.int32, (BM, 1), 0)
            + pl.program_id(0) * BM)
    out1 = jnp.where(rows < N, out1, 0.0)
    h2 = jnp.dot(out1, w_ref[...], preferred_element_type=jnp.float32)
    g2_ref[...] = h2 * dis


def _tc2(parts, g1, dis, W2, b1):
    return pl.pallas_call(
        _tc2_body,
        grid=(GRID,),
        in_specs=[
            pl.BlockSpec((NC, BM, D), lambda i: (0, i, 0)),
            pl.BlockSpec((BM, D), lambda i: (i, 0)),
            pl.BlockSpec((BM, 1), lambda i: (i, 0)),
            pl.BlockSpec((D, D), lambda i: (0, 0)),
            pl.BlockSpec((1, D), lambda i: (0, 0)),
        ],
        out_specs=pl.BlockSpec((BM, D), lambda i: (i, 0)),
        out_shape=jax.ShapeDtypeStruct((NP, D), jnp.float32),
    )(parts, g1, dis, W2, b1)


def _tc3_body(q_ref, g2_ref, dis_ref, b_ref, o_ref):
    o_ref[...] = (dis_ref[...] * (q_ref[0] + q_ref[1] + g2_ref[...])
                  + b_ref[...])


def _tc3(parts, g2, dis, b2):
    return pl.pallas_call(
        _tc3_body,
        grid=(GRID,),
        in_specs=[
            pl.BlockSpec((NC, BM, D), lambda i: (0, i, 0)),
            pl.BlockSpec((BM, D), lambda i: (i, 0)),
            pl.BlockSpec((BM, 1), lambda i: (i, 0)),
            pl.BlockSpec((1, D), lambda i: (0, 0)),
        ],
        out_specs=pl.BlockSpec((BM, D), lambda i: (i, 0)),
        out_shape=jax.ShapeDtypeStruct((NP, D), jnp.float32),
    )(parts, g2, dis, b2)


def kernel(x, edge_index, W1, b1, W2, b2):
    src = edge_index[0].astype(jnp.int32)
    dst = edge_index[1].astype(jnp.int32)
    pad = jnp.full((EP - E,), N, dtype=jnp.int32)
    src_p = jnp.concatenate([src, pad]).reshape(NW * CHUNKS_PER_W, CHUNK)
    dst_p = jnp.concatenate([dst, pad]).reshape(NW * CHUNKS_PER_W, CHUNK)
    x_pad = jnp.zeros((NP, D), jnp.float32).at[:N].set(x)
    b1r = b1.reshape(1, D).astype(jnp.float32)
    b2r = b2.reshape(1, D).astype(jnp.float32)
    zeros_np = jnp.zeros((NP,), jnp.float32)
    zrow = jnp.zeros((ROWS_PER_TILE, D), jnp.float32)

    deg_parts = _deg_kernel(dst_p, zeros_np)
    h1 = _tc1a(x_pad, W1.astype(jnp.float32))
    g1, dis = _tc1b(deg_parts, h1)
    parts1 = _agg_kernel(g1, src_p, dst_p, zrow)
    g2 = _tc2(parts1, g1, dis, W2.astype(jnp.float32), b1r)
    parts2 = _agg_kernel(g2, src_p, dst_p, zrow)
    out = _tc3(parts2, g2, dis, b2r)
    return out[:N]

# --- scband reference (transcript-rebuilt; emitter-appended) ---
"""Pipeline reference for scband-gnnencoder-893353198358 (READ-ONLY COPY).

The authoritative reference and input builder live on the scoring server;
editing this copy changes nothing except your own understanding.
"""

import jax, jax.numpy as jnp
import numpy as np

N = 10000
E = 320000
D_IN = 128
D_HID = 128
D_OUT = 128


def setup_inputs(seed: int = 0) -> dict:
    key = jax.random.key(seed)
    k1, k2, k3, k4, k5, k6 = jax.random.split(key, 6)
    x = jax.random.normal(k1, (N, D_IN), dtype=jnp.float32)
    edge_index = jax.random.randint(k2, (2, E), 0, N)
    W1 = jax.random.normal(k3, (D_IN, D_HID), dtype=jnp.float32) * (1.0 / np.sqrt(D_IN))
    b1 = jnp.zeros((D_HID,), dtype=jnp.float32)
    W2 = jax.random.normal(k4, (D_HID, D_OUT), dtype=jnp.float32) * (1.0 / np.sqrt(D_HID))
    b2 = jnp.zeros((D_OUT,), dtype=jnp.float32)
    return {"x": x, "edge_index": edge_index, "W1": W1, "b1": b1, "W2": W2, "b2": b2}


def gcn_conv(x, edge_index, W, b):
    # Faithful PyG GCNConv: add self-loops, symmetric normalization D^{-1/2}(A+I)D^{-1/2},
    # linear transform, scatter-add aggregation at destination nodes, then bias.
    num_nodes = x.shape[0]
    src = edge_index[0]
    dst = edge_index[1]
    loop = jnp.arange(num_nodes, dtype=src.dtype)
    src = jnp.concatenate([src, loop])
    dst = jnp.concatenate([dst, loop])
    ones = jnp.ones_like(src, dtype=x.dtype)
    deg = jax.ops.segment_sum(ones, dst, num_segments=num_nodes)
    deg_inv_sqrt = jnp.where(deg > 0, 1.0 / jnp.sqrt(deg), 0.0)
    norm = deg_inv_sqrt[src] * deg_inv_sqrt[dst]
    h = x @ W
    msg = h[src] * norm[:, None]
    out = jax.ops.segment_sum(msg, dst, num_segments=num_nodes)
    return out + b


def reference(x, edge_index, W1, b1, W2, b2):
    h = jax.nn.relu(gcn_conv(x, edge_index, W1, b1))
    out = gcn_conv(h, edge_index, W2, b2)
    return out

if __name__ == "__main__":
    import jax
    _d = setup_inputs()
    print(jax.jit(kernel)(*tuple(_d.values())))

</pallas_src>

<mosaic_0001>
#map = affine_map<(d0, d1) -> (0, 0)>
#map1 = affine_map<(d0, d1) -> (0, 0, 0)>
module attributes {stable_mosaic.version = 14 : i64} {
  func.func @_agg_kernel(%arg0: i32, %arg1: i32, %arg2: memref<10240x128xf32, #tpu.memory_space<hbm>>, %arg3: memref<2560x128xi32, #tpu.memory_space<hbm>>, %arg4: memref<2560x128xi32, #tpu.memory_space<hbm>>, %arg5: memref<640x128xf32, #tpu.memory_space<hbm>>, %arg6: memref<2x10240x128xf32, #tpu.memory_space<hbm>>, %arg7: memref<128xi32, #tpu.memory_space<vmem>>, %arg8: memref<128xi32, #tpu.memory_space<vmem>>, %arg9: memref<128xi32, #tpu.memory_space<vmem>>, %arg10: memref<128xi32, #tpu.memory_space<vmem>>, %arg11: memref<128x128xf32, #tpu.memory_space<vmem>>, %arg12: memref<128x128xf32, #tpu.memory_space<vmem>>, %arg13: memref<10240x128xf32, #tpu.memory_space<vmem_shared>>, %arg14: memref<!tpu.dma_semaphore, #tpu.memory_space<semaphore_mem>>, %arg15: memref<!tpu.dma_semaphore, #tpu.memory_space<semaphore_mem>>, %arg16: memref<!tpu.dma_semaphore, #tpu.memory_space<semaphore_mem>>, %arg17: memref<!tpu.dma_semaphore, #tpu.memory_space<semaphore_mem>>, %arg18: memref<!tpu.dma_semaphore, #tpu.memory_space<semaphore_mem>>, %arg19: memref<!tpu.dma_semaphore, #tpu.memory_space<semaphore_mem>>) attributes {dimension_semantics = [#tpu.dimension_semantics<core_parallel>, #tpu.dimension_semantics<subcore_parallel>], iteration_bounds = array<i64: 2, 16>, scalar_prefetch = 0 : i64, scratch_operands = 13 : i64, tpu.core_type = #tpu.core_type<sc_vector_subcore>, window_params = [{transform_indices = #map}, {transform_indices = #map}, {transform_indices = #map}, {transform_indices = #map}, {transform_indices = #map1}]} {
    %eq3A = arith.constant 0 : i32
    %eq3A_0 = arith.cmpi eq, %arg0, %eq3A : i32
    %select_n3A = arith.constant 40 : i32
    %select_n3A_1 = arith.constant 120 : i32
    %select_n3A_2 = arith.select %eq3A_0, %select_n3A_1, %select_n3A : i32
    %mul3A = arith.constant 160 : i32
    %mul3A_3 = arith.muli %arg1, %mul3A : i32
    %eq3A_4 = arith.constant 0 : i32
    %eq3A_5 = arith.cmpi eq, %arg0, %eq3A_4 : i32
    %select_n3A_6 = arith.constant 120 : i32
    %select_n3A_7 = arith.constant 0 : i32
    %select_n3A_8 = arith.select %eq3A_5, %select_n3A_7, %select_n3A_6 : i32
    %add3A = arith.addi %mul3A_3, %select_n3A_8 : i32
    %mul3A_9 = arith.constant 640 : i32
    %mul3A_10 = arith.muli %arg1, %mul3A_9 : i32
    "tpu.region"() ({
      %run_scoped3A = tpu.sem_alloc : memref<!tpu.dma_semaphore, #tpu.memory_space<semaphore_mem>>
      %dma_start3A_78 = arith.constant 0 : i32
      %dma_start3A_79 = tpu.memref_slice %arg13[%mul3A_10, %dma_start3A_78] : memref<10240x128xf32, #tpu.memory_space<vmem_shared>> -> memref<640x128xf32, #tpu.memory_space<vmem_shared>>
      tpu.enqueue_dma source(%arg5 : memref<640x128xf32, #tpu.memory_space<hbm>>) target(%dma_start3A_79 : memref<640x128xf32, #tpu.memory_space<vmem_shared>>) target_semaphore(%run_scoped3A : memref<!tpu.dma_semaphore, #tpu.memory_space<semaphore_mem>>)
      %dma_wait3A_80 = arith.constant 0 : i32
      %dma_wait3A_81 = tpu.memref_slice %arg13[%mul3A_10, %dma_wait3A_80] : memref<10240x128xf32, #tpu.memory_space<vmem_shared>> -> memref<640x128xf32, #tpu.memory_space<vmem_shared>>
      tpu.wait_dma2 semaphore(%run_scoped3A : memref<!tpu.dma_semaphore, #tpu.memory_space<semaphore_mem>>) src(%arg5 : memref<640x128xf32, #tpu.memory_space<hbm>>) dst(%dma_wait3A_81 : memref<640x128xf32, #tpu.memory_space<vmem_shared>>)
      tpu.yield
    }) : () -> ()
    %barrier3A = arith.constant 0 : index
    tpu.barrier barrier_id(%barrier3A)
    %dma_start3A = arith.constant 0 : i32
    %dma_start3A_11 = tpu.memref_slice %arg3[%add3A, %dma_start3A] : memref<2560x128xi32, #tpu.memory_space<hbm>> -> memref<1x128xi32, #tpu.memory_space<hbm>>
    %dma_start3A_12 = tpu.memref_squeeze %dma_start3A_11 : memref<1x128xi32, #tpu.memory_space<hbm>> -> memref<128xi32, #tpu.memory_space<hbm>>
    %dma_start3A_13 = arith.constant 0 : i32
    %dma_start3A_14 = tpu.memref_slice %arg3[%add3A, %dma_start3A_13] : memref<2560x128xi32, #tpu.memory_space<hbm>> -> memref<1x128xi32, #tpu.memory_space<hbm>>
    %dma_start3A_15 = tpu.memref_squeeze %dma_start3A_14 : memref<1x128xi32, #tpu.memory_space<hbm>> -> memref<128xi32, #tpu.memory_space<hbm>>
    tpu.enqueue_dma source(%dma_start3A_15 : memref<128xi32, #tpu.memory_space<hbm>>) target(%arg7 : memref<128xi32, #tpu.memory_space<vmem>>) target_semaphore(%arg16 : memref<!tpu.dma_semaphore, #tpu.memory_space<semaphore_mem>>)
    %add3A_16 = arith.constant 1 : i32
    %add3A_17 = arith.addi %add3A, %add3A_16 : i32
    %dma_start3A_18 = arith.constant 0 : i32
    %dma_start3A_19 = tpu.memref_slice %arg3[%add3A_17, %dma_start3A_18] : memref<2560x128xi32, #tpu.memory_space<hbm>> -> memref<1x128xi32, #tpu.memory_space<hbm>>
    %dma_start3A_20 = tpu.memref_squeeze %dma_start3A_19 : memref<1x128xi32, #tpu.memory_space<hbm>> -> memref<128xi32, #tpu.memory_space<hbm>>
    %dma_start3A_21 = arith.constant 0 : i32
    %dma_start3A_22 = tpu.memref_slice %arg3[%add3A_17, %dma_start3A_21] : memref<2560x128xi32, #tpu.memory_space<hbm>> -> memref<1x128xi32, #tpu.memory_space<hbm>>
    %dma_start3A_23 = tpu.memref_squeeze %dma_start3A_22 : memref<1x128xi32, #tpu.memory_space<hbm>> -> memref<128xi32, #tpu.memory_space<hbm>>
    tpu.enqueue_dma source(%dma_start3A_23 : memref<128xi32, #tpu.memory_space<hbm>>) target(%arg8 : memref<128xi32, #tpu.memory_space<vmem>>) target_semaphore(%arg17 : memref<!tpu.dma_semaphore, #tpu.memory_space<semaphore_mem>>)
    %dma_start3A_24 = arith.constant 0 : i32
    %dma_start3A_25 = tpu.memref_slice %arg4[%add3A, %dma_start3A_24] : memref<2560x128xi32, #tpu.memory_space<hbm>> -> memref<1x128xi32, #tpu.memory_space<hbm>>
    %dma_start3A_26 = tpu.memref_squeeze %dma_start3A_25 : memref<1x128xi32, #tpu.memory_space<hbm>> -> memref<128xi32, #tpu.memory_space<hbm>>
    %dma_start3A_27 = arith.constant 0 : i32
    %dma_start3A_28 = tpu.memref_slice %arg4[%add3A, %dma_start3A_27] : memref<2560x128xi32, #tpu.memory_space<hbm>> -> memref<1x128xi32, #tpu.memory_space<hbm>>
    %dma_start3A_29 = tpu.memref_squeeze %dma_start3A_28 : memref<1x128xi32, #tpu.memory_space<hbm>> -> memref<128xi32, #tpu.memory_space<hbm>>
    tpu.enqueue_dma source(%dma_start3A_29 : memref<128xi32, #tpu.memory_space<hbm>>) target(%arg9 : memref<128xi32, #tpu.memory_space<vmem>>) target_semaphore(%arg18 : memref<!tpu.dma_semaphore, #tpu.memory_space<semaphore_mem>>)
    %add3A_30 = arith.constant 1 : i32
    %add3A_31 = arith.addi %add3A, %add3A_30 : i32
    %dma_start3A_32 = arith.constant 0 : i32
    %dma_start3A_33 = tpu.memref_slice %arg4[%add3A_31, %dma_start3A_32] : memref<2560x128xi32, #tpu.memory_space<hbm>> -> memref<1x128xi32, #tpu.memory_space<hbm>>
    %dma_start3A_34 = tpu.memref_squeeze %dma_start3A_33 : memref<1x128xi32, #tpu.memory_space<hbm>> -> memref<128xi32, #tpu.memory_space<hbm>>
    %dma_start3A_35 = arith.constant 0 : i32
    %dma_start3A_36 = tpu.memref_slice %arg4[%add3A_31, %dma_start3A_35] : memref<2560x128xi32, #tpu.memory_space<hbm>> -> memref<1x128xi32, #tpu.memory_space<hbm>>
    %dma_start3A_37 = tpu.memref_squeeze %dma_start3A_36 : memref<1x128xi32, #tpu.memory_space<hbm>> -> memref<128xi32, #tpu.memory_space<hbm>>
    tpu.enqueue_dma source(%dma_start3A_37 : memref<128xi32, #tpu.memory_space<hbm>>) target(%arg10 : memref<128xi32, #tpu.memory_space<vmem>>) target_semaphore(%arg19 : memref<!tpu.dma_semaphore, #tpu.memory_space<semaphore_mem>>)
    %dma_wait3A = arith.constant 0 : i32
    %dma_wait3A_38 = arith.constant 0 : i32
    %dma_wait3A_39 = tpu.memref_slice %arg3[%dma_wait3A, %dma_wait3A_38] : memref<2560x128xi32, #tpu.memory_space<hbm>> -> memref<1x128xi32, #tpu.memory_space<hbm>>
    %dma_wait3A_40 = tpu.memref_squeeze %dma_wait3A_39 : memref<1x128xi32, #tpu.memory_space<hbm>> -> memref<128xi32, #tpu.memory_space<hbm>>
    %dma_wait3A_41 = arith.constant 0 : i32
    %dma_wait3A_42 = tpu.memref_slice %arg3[%dma_wait3A, %dma_wait3A_41] : memref<2560x128xi32, #tpu.memory_space<hbm>> -> memref<1x128xi32, #tpu.memory_space<hbm>>
    %dma_wait3A_43 = tpu.memref_squeeze %dma_wait3A_42 : memref<1x128xi32, #tpu.memory_space<hbm>> -> memref<128xi32, #tpu.memory_space<hbm>>
    tpu.wait_dma2 semaphore(%arg16 : memref<!tpu.dma_semaphore, #tpu.memory_space<semaphore_mem>>) src(%dma_wait3A_43 : memref<128xi32, #tpu.memory_space<hbm>>) dst(%arg7 : memref<128xi32, #tpu.memory_space<vmem>>)
    %dma_start3A_44 = arith.constant 0 : i32
    %dma_start3A_45 = arith.constant 0 : i32
    %dma_start3A_46 = tpu.memref_slice %arg2[%dma_start3A_44, %dma_start3A_45] : memref<10240x128xf32, #tpu.memory_space<hbm>> -> memref<10240x128xf32, #tpu.memory_space<hbm>>
    tpu.enqueue_indirect_dma source(%dma_start3A_46 : memref<10240x128xf32, #tpu.memory_space<hbm>>) target(%arg11 : memref<128x128xf32, #tpu.memory_space<vmem>>) offsets(%arg7 : memref<128xi32, #tpu.memory_space<vmem>>) semaphore(%arg14 : memref<!tpu.dma_semaphore, #tpu.memory_space<semaphore_mem>>)
    %jit3A = arith.constant 2 : i32
    %div3A = arith.divsi %select_n3A_2, %jit3A : i32
    %sign3A = arith.constant 0 : i32
    %sign3A_47 = arith.cmpi sgt, %select_n3A_2, %sign3A : i32
    %sign3A_48 = arith.extui %sign3A_47 : i1 to i32
    %sign3A_49 = arith.constant 0 : i32
    %sign3A_50 = arith.cmpi slt, %select_n3A_2, %sign3A_49 : i32
    %sign3A_51 = arith.extui %sign3A_50 : i1 to i32
    %sign3A_52 = arith.subi %sign3A_48, %sign3A_51 : i32
    %sign3A_53 = arith.constant 0 : i32
    %sign3A_54 = arith.cmpi sgt, %jit3A, %sign3A_53 : i32
    %sign3A_55 = arith.extui %sign3A_54 : i1 to i32
    %sign3A_56 = arith.constant 0 : i32
    %sign3A_57 = arith.cmpi slt, %jit3A, %sign3A_56 : i32
    %sign3A_58 = arith.extui %sign3A_57 : i1 to i32
    %sign3A_59 = arith.subi %sign3A_55, %sign3A_58 : i32
    %ne3A = arith.cmpi ne, %sign3A_52, %sign3A_59 : i32
    %rem3A = arith.remsi %select_n3A_2, %jit3A : i32
    %ne3A_60 = arith.constant 0 : i32
    %ne3A_61 = arith.cmpi ne, %rem3A, %ne3A_60 : i32
    %and3A = arith.andi %ne3A, %ne3A_61 : i1
    %sub3A = arith.constant 1 : i32
    %sub3A_62 = arith.subi %div3A, %sub3A : i32
    %select_n3A_63 = arith.select %and3A, %sub3A_62, %div3A : i32
    %while3A = arith.constant 0 : i32
    %while3A_64 = arith.constant 0 : i32
    %while3A_65 = arith.subi %select_n3A_63, %while3A_64 : i32
    %while3A_66 = arith.addi %while3A_64, %while3A_65 : i32
    %while3A_67 = arith.constant 1 : i32
    %while3A_68 = arith.divsi %while3A_65, %while3A_67 : i32
    %while3A_69 = arith.muli %while3A_68, %while3A_67 : i32
    %while3A_70 = arith.addi %while3A_64, %while3A_69 : i32
    %while3A_71 = arith.constant 1 : i32
    scf.for %while3A_78 = %while3A_64 to %while3A_70 step %while3A_71  : i32 {
      %mul3A_79 = arith.constant 2 : i32
      %mul3A_80 = arith.muli %mul3A_79, %while3A_78 : i32
      %add3A_81 = arith.addi %add3A, %mul3A_80 : i32
      %mul3A_82 = arith.constant 2 : i32
      %mul3A_83 = arith.muli %mul3A_82, %while3A_78 : i32
      %dma_wait3A_84 = arith.constant 0 : i32
      %dma_wait3A_85 = arith.constant 0 : i32
      %dma_wait3A_86 = tpu.memref_slice %arg2[%dma_wait3A_84, %dma_wait3A_85] : memref<10240x128xf32, #tpu.memory_space<hbm>> -> memref<10240x128xf32, #tpu.memory_space<hbm>>
      tpu.wait_indirect_dma semaphore(%arg14 : memref<!tpu.dma_semaphore, #tpu.memory_space<semaphore_mem>>) src(%dma_wait3A_86 : memref<10240x128xf32, #tpu.memory_space<hbm>>) dst(%arg11 : memref<128x128xf32, #tpu.memory_space<vmem>>)
      %add3A_87 = arith.constant 1 : i32
      %add3A_88 = arith.addi %mul3A_83, %add3A_87 : i32
      %lt3A = arith.cmpi slt, %add3A_88, %select_n3A_2 : i32
      %convert_element_type3A = arith.extui %lt3A : i1 to i32
      %cond3A = arith.constant 0 : i32
      %cond3A_89 = arith.cmpi ne, %convert_element_type3A, %cond3A : i32
      scf.if %cond3A_89 {
        %dma_wait3A_131 = arith.constant 0 : i32
        %dma_wait3A_132 = arith.constant 0 : i32
        %dma_wait3A_133 = tpu.memref_slice %arg3[%dma_wait3A_131, %dma_wait3A_132] : memref<2560x128xi32, #tpu.memory_space<hbm>> -> memref<1x128xi32, #tpu.memory_space<hbm>>
        %dma_wait3A_134 = tpu.memref_squeeze %dma_wait3A_133 : memref<1x128xi32, #tpu.memory_space<hbm>> -> memref<128xi32, #tpu.memory_space<hbm>>
        %dma_wait3A_135 = arith.constant 0 : i32
        %dma_wait3A_136 = tpu.memref_slice %arg3[%dma_wait3A_131, %dma_wait3A_135] : memref<2560x128xi32, #tpu.memory_space<hbm>> -> memref<1x128xi32, #tpu.memory_space<hbm>>
        %dma_wait3A_137 = tpu.memref_squeeze %dma_wait3A_136 : memref<1x128xi32, #tpu.memory_space<hbm>> -> memref<128xi32, #tpu.memory_space<hbm>>
        tpu.wait_dma2 semaphore(%arg17 : memref<!tpu.dma_semaphore, #tpu.memory_space<semaphore_mem>>) src(%dma_wait3A_137 : memref<128xi32, #tpu.memory_space<hbm>>) dst(%arg8 : memref<128xi32, #tpu.memory_space<vmem>>)
        %dma_start3A_138 = arith.constant 0 : i32
        %dma_start3A_139 = arith.constant 0 : i32
        %dma_start3A_140 = tpu.memref_slice %arg2[%dma_start3A_138, %dma_start3A_139] : memref<10240x128xf32, #tpu.memory_space<hbm>> -> memref<10240x128xf32, #tpu.memory_space<hbm>>
        tpu.enqueue_indirect_dma source(%dma_start3A_140 : memref<10240x128xf32, #tpu.memory_space<hbm>>) target(%arg12 : memref<128x128xf32, #tpu.memory_space<vmem>>) offsets(%arg8 : memref<128xi32, #tpu.memory_space<vmem>>) semaphore(%arg15 : memref<!tpu.dma_semaphore, #tpu.memory_space<semaphore_mem>>)
      } else {
      }
      %dma_wait3A_90 = arith.constant 0 : i32
      %dma_wait3A_91 = arith.constant 0 : i32
      %dma_wait3A_92 = tpu.memref_slice %arg4[%dma_wait3A_90, %dma_wait3A_91] : memref<2560x128xi32, #tpu.memory_space<hbm>> -> memref<1x128xi32, #tpu.memory_space<hbm>>
      %dma_wait3A_93 = tpu.memref_squeeze %dma_wait3A_92 : memref<1x128xi32, #tpu.memory_space<hbm>> -> memref<128xi32, #tpu.memory_space<hbm>>
      %dma_wait3A_94 = arith.constant 0 : i32
      %dma_wait3A_95 = tpu.memref_slice %arg4[%dma_wait3A_90, %dma_wait3A_94] : memref<2560x128xi32, #tpu.memory_space<hbm>> -> memref<1x128xi32, #tpu.memory_space<hbm>>
      %dma_wait3A_96 = tpu.memref_squeeze %dma_wait3A_95 : memref<1x128xi32, #tpu.memory_space<hbm>> -> memref<128xi32, #tpu.memory_space<hbm>>
      tpu.wait_dma2 semaphore(%arg18 : memref<!tpu.dma_semaphore, #tpu.memory_space<semaphore_mem>>) src(%dma_wait3A_96 : memref<128xi32, #tpu.memory_space<hbm>>) dst(%arg9 : memref<128xi32, #tpu.memory_space<vmem>>)
      "tpu.region"() ({
        %run_scoped3A = tpu.sem_alloc : memref<!tpu.dma_semaphore, #tpu.memory_space<semaphore_mem>>
        %dma_start3A_131 = arith.constant 0 : i32
        %dma_start3A_132 = arith.constant 0 : i32
        %dma_start3A_133 = tpu.memref_slice %arg13[%dma_start3A_131, %dma_start3A_132] : memref<10240x128xf32, #tpu.memory_space<vmem_shared>> -> memref<10240x128xf32, #tpu.memory_space<vmem_shared>>
        tpu.enqueue_indirect_dma source(%arg11 : memref<128x128xf32, #tpu.memory_space<vmem>>) target(%dma_start3A_133 : memref<10240x128xf32, #tpu.memory_space<vmem_shared>>) offsets(%arg9 : memref<128xi32, #tpu.memory_space<vmem>>) semaphore(%run_scoped3A : memref<!tpu.dma_semaphore, #tpu.memory_space<semaphore_mem>>) {add = true}
        %dma_wait3A_134 = arith.constant 0 : i32
        %dma_wait3A_135 = arith.constant 0 : i32
        %dma_wait3A_136 = tpu.memref_slice %arg13[%dma_wait3A_134, %dma_wait3A_135] : memref<10240x128xf32, #tpu.memory_space<vmem_shared>> -> memref<10240x128xf32, #tpu.memory_space<vmem_shared>>
        tpu.wait_indirect_dma semaphore(%run_scoped3A : memref<!tpu.dma_semaphore, #tpu.memory_space<semaphore_mem>>) src(%arg11 : memref<128x128xf32, #tpu.memory_space<vmem>>) dst(%dma_wait3A_136 : memref<10240x128xf32, #tpu.memory_space<vmem_shared>>)
        tpu.yield
      }) : () -> ()
      %add3A_97 = arith.constant 2 : i32
      %add3A_98 = arith.addi %mul3A_83, %add3A_97 : i32
      %lt3A_99 = arith.cmpi slt, %add3A_98, %select_n3A_2 : i32
      %convert_element_type3A_100 = arith.extui %lt3A_99 : i1 to i32
      %cond3A_101 = arith.constant 0 : i32
      %cond3A_102 = arith.cmpi ne, %convert_element_type3A_100, %cond3A_101 : i32
      scf.if %cond3A_102 {
        %add3A_131 = arith.constant 2 : i32
        %add3A_132 = arith.addi %add3A_81, %add3A_131 : i32
        %dma_start3A_133 = arith.constant 0 : i32
        %dma_start3A_134 = tpu.memref_slice %arg3[%add3A_132, %dma_start3A_133] : memref<2560x128xi32, #tpu.memory_space<hbm>> -> memref<1x128xi32, #tpu.memory_space<hbm>>
        %dma_start3A_135 = tpu.memref_squeeze %dma_start3A_134 : memref<1x128xi32, #tpu.memory_space<hbm>> -> memref<128xi32, #tpu.memory_space<hbm>>
        %dma_start3A_136 = arith.constant 0 : i32
        %dma_start3A_137 = tpu.memref_slice %arg3[%add3A_132, %dma_start3A_136] : memref<2560x128xi32, #tpu.memory_space<hbm>> -> memref<1x128xi32, #tpu.memory_space<hbm>>
        %dma_start3A_138 = tpu.memref_squeeze %dma_start3A_137 : memref<1x128xi32, #tpu.memory_space<hbm>> -> memref<128xi32, #tpu.memory_space<hbm>>
        tpu.enqueue_dma source(%dma_start3A_138 : memref<128xi32, #tpu.memory_space<hbm>>) target(%arg7 : memref<128xi32, #tpu.memory_space<vmem>>) target_semaphore(%arg16 : memref<!tpu.dma_semaphore, #tpu.memory_space<semaphore_mem>>)
        %add3A_139 = arith.constant 2 : i32
        %add3A_140 = arith.addi %add3A_81, %add3A_139 : i32
        %dma_start3A_141 = arith.constant 0 : i32
        %dma_start3A_142 = tpu.memref_slice %arg4[%add3A_140, %dma_start3A_141] : memref<2560x128xi32, #tpu.memory_space<hbm>> -> memref<1x128xi32, #tpu.memory_space<hbm>>
        %dma_start3A_143 = tpu.memref_squeeze %dma_start3A_142 : memref<1x128xi32, #tpu.memory_space<hbm>> -> memref<128xi32, #tpu.memory_space<hbm>>
        %dma_start3A_144 = arith.constant 0 : i32
        %dma_start3A_145 = tpu.memref_slice %arg4[%add3A_140, %dma_start3A_144] : memref<2560x128xi32, #tpu.memory_space<hbm>> -> memref<1x128xi32, #tpu.memory_space<hbm>>
        %dma_start3A_146 = tpu.memref_squeeze %dma_start3A_145 : memref<1x128xi32, #tpu.memory_space<hbm>> -> memref<128xi32, #tpu.memory_space<hbm>>
        tpu.enqueue_dma source(%dma_start3A_146 : memref<128xi32, #tpu.memory_space<hbm>>) target(%arg9 : memref<128xi32, #tpu.memory_space<vmem>>) target_semaphore(%arg18 : memref<!tpu.dma_semaphore, #tpu.memory_space<semaphore_mem>>)
      } else {
      }
      %add3A_103 = arith.constant 1 : i32
      %add3A_104 = arith.addi %add3A_81, %add3A_103 : i32
      %mul3A_105 = arith.constant 2 : i32
      %mul3A_106 = arith.muli %mul3A_105, %while3A_78 : i32
      %add3A_107 = arith.constant 1 : i32
      %add3A_108 = arith.addi %mul3A_106, %add3A_107 : i32
      %dma_wait3A_109 = arith.constant 0 : i32
      %dma_wait3A_110 = arith.constant 0 : i32
      %dma_wait3A_111 = tpu.memref_slice %arg2[%dma_wait3A_109, %dma_wait3A_110] : memref<10240x128xf32, #tpu.memory_space<hbm>> -> memref<10240x128xf32, #tpu.memory_space<hbm>>
      tpu.wait_indirect_dma semaphore(%arg15 : memref<!tpu.dma_semaphore, #tpu.memory_space<semaphore_mem>>) src(%dma_wait3A_111 : memref<10240x128xf32, #tpu.memory_space<hbm>>) dst(%arg12 : memref<128x128xf32, #tpu.memory_space<vmem>>)
      %add3A_112 = arith.constant 1 : i32
      %add3A_113 = arith.addi %add3A_108, %add3A_112 : i32
      %lt3A_114 = arith.cmpi slt, %add3A_113, %select_n3A_2 : i32
      %convert_element_type3A_115 = arith.extui %lt3A_114 : i1 to i32
      %cond3A_116 = arith.constant 0 : i32
      %cond3A_117 = arith.cmpi ne, %convert_element_type3A_115, %cond3A_116 : i32
      scf.if %cond3A_117 {
        %dma_wait3A_131 = arith.constant 0 : i32
        %dma_wait3A_132 = arith.constant 0 : i32
        %dma_wait3A_133 = tpu.memref_slice %arg3[%dma_wait3A_131, %dma_wait3A_132] : memref<2560x128xi32, #tpu.memory_space<hbm>> -> memref<1x128xi32, #tpu.memory_space<hbm>>
        %dma_wait3A_134 = tpu.memref_squeeze %dma_wait3A_133 : memref<1x128xi32, #tpu.memory_space<hbm>> -> memref<128xi32, #tpu.memory_space<hbm>>
        %dma_wait3A_135 = arith.constant 0 : i32
        %dma_wait3A_136 = tpu.memref_slice %arg3[%dma_wait3A_131, %dma_wait3A_135] : memref<2560x128xi32, #tpu.memory_space<hbm>> -> memref<1x128xi32, #tpu.memory_space<hbm>>
        %dma_wait3A_137 = tpu.memref_squeeze %dma_wait3A_136 : memref<1x128xi32, #tpu.memory_space<hbm>> -> memref<128xi32, #tpu.memory_space<hbm>>
        tpu.wait_dma2 semaphore(%arg16 : memref<!tpu.dma_semaphore, #tpu.memory_space<semaphore_mem>>) src(%dma_wait3A_137 : memref<128xi32, #tpu.memory_space<hbm>>) dst(%arg7 : memref<128xi32, #tpu.memory_space<vmem>>)
        %dma_start3A_138 = arith.constant 0 : i32
        %dma_start3A_139 = arith.constant 0 : i32
        %dma_start3A_140 = tpu.memref_slice %arg2[%dma_start3A_138, %dma_start3A_139] : memref<10240x128xf32, #tpu.memory_space<hbm>> -> memref<10240x128xf32, #tpu.memory_space<hbm>>
        tpu.enqueue_indirect_dma source(%dma_start3A_140 : memref<10240x128xf32, #tpu.memory_space<hbm>>) target(%arg11 : memref<128x128xf32, #tpu.memory_space<vmem>>) offsets(%arg7 : memref<128xi32, #tpu.memory_space<vmem>>) semaphore(%arg14 : memref<!tpu.dma_semaphore, #tpu.memory_space<semaphore_mem>>)
      } else {
      }
      %dma_wait3A_118 = arith.constant 0 : i32
      %dma_wait3A_119 = arith.constant 0 : i32
      %dma_wait3A_120 = tpu.memref_slice %arg4[%dma_wait3A_118, %dma_wait3A_119] : memref<2560x128xi32, #tpu.memory_space<hbm>> -> memref<1x128xi32, #tpu.memory_space<hbm>>
      %dma_wait3A_121 = tpu.memref_squeeze %dma_wait3A_120 : memref<1x128xi32, #tpu.memory_space<hbm>> -> memref<128xi32, #tpu.memory_space<hbm>>
      %dma_wait3A_122 = arith.constant 0 : i32
      %dma_wait3A_123 = tpu.memref_slice %arg4[%dma_wait3A_118, %dma_wait3A_122] : memref<2560x128xi32, #tpu.memory_space<hbm>> -> memref<1x128xi32, #tpu.memory_space<hbm>>
      %dma_wait3A_124 = tpu.memref_squeeze %dma_wait3A_123 : memref<1x128xi32, #tpu.memory_space<hbm>> -> memref<128xi32, #tpu.memory_space<hbm>>
      tpu.wait_dma2 semaphore(%arg19 : memref<!tpu.dma_semaphore, #tpu.memory_space<semaphore_mem>>) src(%dma_wait3A_124 : memref<128xi32, #tpu.memory_space<hbm>>) dst(%arg10 : memref<128xi32, #tpu.memory_space<vmem>>)
      "tpu.region"() ({
        %run_scoped3A = tpu.sem_alloc : memref<!tpu.dma_semaphore, #tpu.memory_space<semaphore_mem>>
        %dma_start3A_131 = arith.constant 0 : i32
        %dma_start3A_132 = arith.constant 0 : i32
        %dma_start3A_133 = tpu.memref_slice %arg13[%dma_start3A_131, %dma_start3A_132] : memref<10240x128xf32, #tpu.memory_space<vmem_shared>> -> memref<10240x128xf32, #tpu.memory_space<vmem_shared>>
        tpu.enqueue_indirect_dma source(%arg12 : memref<128x128xf32, #tpu.memory_space<vmem>>) target(%dma_start3A_133 : memref<10240x128xf32, #tpu.memory_space<vmem_shared>>) offsets(%arg10 : memref<128xi32, #tpu.memory_space<vmem>>) semaphore(%run_scoped3A : memref<!tpu.dma_semaphore, #tpu.memory_space<semaphore_mem>>) {add = true}
        %dma_wait3A_134 = arith.constant 0 : i32
        %dma_wait3A_135 = arith.constant 0 : i32
        %dma_wait3A_136 = tpu.memref_slice %arg13[%dma_wait3A_134, %dma_wait3A_135] : memref<10240x128xf32, #tpu.memory_space<vmem_shared>> -> memref<10240x128xf32, #tpu.memory_space<vmem_shared>>
        tpu.wait_indirect_dma semaphore(%run_scoped3A : memref<!tpu.dma_semaphore, #tpu.memory_space<semaphore_mem>>) src(%arg12 : memref<128x128xf32, #tpu.memory_space<vmem>>) dst(%dma_wait3A_136 : memref<10240x128xf32, #tpu.memory_space<vmem_shared>>)
        tpu.yield
      }) : () -> ()
      %add3A_125 = arith.constant 2 : i32
      %add3A_126 = arith.addi %add3A_108, %add3A_125 : i32
      %lt3A_127 = arith.cmpi slt, %add3A_126, %select_n3A_2 : i32
      %convert_element_type3A_128 = arith.extui %lt3A_127 : i1 to i32
      %cond3A_129 = arith.constant 0 : i32
      %cond3A_130 = arith.cmpi ne, %convert_element_type3A_128, %cond3A_129 : i32
      scf.if %cond3A_130 {
        %add3A_131 = arith.constant 2 : i32
        %add3A_132 = arith.addi %add3A_104, %add3A_131 : i32
        %dma_start3A_133 = arith.constant 0 : i32
        %dma_start3A_134 = tpu.memref_slice %arg3[%add3A_132, %dma_start3A_133] : memref<2560x128xi32, #tpu.memory_space<hbm>> -> memref<1x128xi32, #tpu.memory_space<hbm>>
        %dma_start3A_135 = tpu.memref_squeeze %dma_start3A_134 : memref<1x128xi32, #tpu.memory_space<hbm>> -> memref<128xi32, #tpu.memory_space<hbm>>
        %dma_start3A_136 = arith.constant 0 : i32
        %dma_start3A_137 = tpu.memref_slice %arg3[%add3A_132, %dma_start3A_136] : memref<2560x128xi32, #tpu.memory_space<hbm>> -> memref<1x128xi32, #tpu.memory_space<hbm>>
        %dma_start3A_138 = tpu.memref_squeeze %dma_start3A_137 : memref<1x128xi32, #tpu.memory_space<hbm>> -> memref<128xi32, #tpu.memory_space<hbm>>
        tpu.enqueue_dma source(%dma_start3A_138 : memref<128xi32, #tpu.memory_space<hbm>>) target(%arg8 : memref<128xi32, #tpu.memory_space<vmem>>) target_semaphore(%arg17 : memref<!tpu.dma_semaphore, #tpu.memory_space<semaphore_mem>>)
        %add3A_139 = arith.constant 2 : i32
        %add3A_140 = arith.addi %add3A_104, %add3A_139 : i32
        %dma_start3A_141 = arith.constant 0 : i32
        %dma_start3A_142 = tpu.memref_slice %arg4[%add3A_140, %dma_start3A_141] : memref<2560x128xi32, #tpu.memory_space<hbm>> -> memref<1x128xi32, #tpu.memory_space<hbm>>
        %dma_start3A_143 = tpu.memref_squeeze %dma_start3A_142 : memref<1x128xi32, #tpu.memory_space<hbm>> -> memref<128xi32, #tpu.memory_space<hbm>>
        %dma_start3A_144 = arith.constant 0 : i32
        %dma_start3A_145 = tpu.memref_slice %arg4[%add3A_140, %dma_start3A_144] : memref<2560x128xi32, #tpu.memory_space<hbm>> -> memref<1x128xi32, #tpu.memory_space<hbm>>
        %dma_start3A_146 = tpu.memref_squeeze %dma_start3A_145 : memref<1x128xi32, #tpu.memory_space<hbm>> -> memref<128xi32, #tpu.memory_space<hbm>>
        tpu.enqueue_dma source(%dma_start3A_146 : memref<128xi32, #tpu.memory_space<hbm>>) target(%arg10 : memref<128xi32, #tpu.memory_space<vmem>>) target_semaphore(%arg19 : memref<!tpu.dma_semaphore, #tpu.memory_space<semaphore_mem>>)
      } else {
      }
    }
    %while3A_72 = arith.constant 1 : i32
    scf.for %while3A_78 = %while3A_70 to %while3A_66 step %while3A_72  : i32 {
      %mul3A_79 = arith.constant 2 : i32
      %mul3A_80 = arith.muli %mul3A_79, %while3A_78 : i32
      %add3A_81 = arith.addi %add3A, %mul3A_80 : i32
      %mul3A_82 = arith.constant 2 : i32
      %mul3A_83 = arith.muli %mul3A_82, %while3A_78 : i32
      %dma_wait3A_84 = arith.constant 0 : i32
      %dma_wait3A_85 = arith.constant 0 : i32
      %dma_wait3A_86 = tpu.memref_slice %arg2[%dma_wait3A_84, %dma_wait3A_85] : memref<10240x128xf32, #tpu.memory_space<hbm>> -> memref<10240x128xf32, #tpu.memory_space<hbm>>
      tpu.wait_indirect_dma semaphore(%arg14 : memref<!tpu.dma_semaphore, #tpu.memory_space<semaphore_mem>>) src(%dma_wait3A_86 : memref<10240x128xf32, #tpu.memory_space<hbm>>) dst(%arg11 : memref<128x128xf32, #tpu.memory_space<vmem>>)
      %add3A_87 = arith.constant 1 : i32
      %add3A_88 = arith.addi %mul3A_83, %add3A_87 : i32
      %lt3A = arith.cmpi slt, %add3A_88, %select_n3A_2 : i32
      %convert_element_type3A = arith.extui %lt3A : i1 to i32
      %cond3A = arith.constant 0 : i32
      %cond3A_89 = arith.cmpi ne, %convert_element_type3A, %cond3A : i32
      scf.if %cond3A_89 {
        %dma_wait3A_131 = arith.constant 0 : i32
        %dma_wait3A_132 = arith.constant 0 : i32
        %dma_wait3A_133 = tpu.memref_slice %arg3[%dma_wait3A_131, %dma_wait3A_132] : memref<2560x128xi32, #tpu.memory_space<hbm>> -> memref<1x128xi32, #tpu.memory_space<hbm>>
        %dma_wait3A_134 = tpu.memref_squeeze %dma_wait3A_133 : memref<1x128xi32, #tpu.memory_space<hbm>> -> memref<128xi32, #tpu.memory_space<hbm>>
        %dma_wait3A_135 = arith.constant 0 : i32
        %dma_wait3A_136 = tpu.memref_slice %arg3[%dma_wait3A_131, %dma_wait3A_135] : memref<2560x128xi32, #tpu.memory_space<hbm>> -> memref<1x128xi32, #tpu.memory_space<hbm>>
        %dma_wait3A_137 = tpu.memref_squeeze %dma_wait3A_136 : memref<1x128xi32, #tpu.memory_space<hbm>> -> memref<128xi32, #tpu.memory_space<hbm>>
        tpu.wait_dma2 semaphore(%arg17 : memref<!tpu.dma_semaphore, #tpu.memory_space<semaphore_mem>>) src(%dma_wait3A_137 : memref<128xi32, #tpu.memory_space<hbm>>) dst(%arg8 : memref<128xi32, #tpu.memory_space<vmem>>)
        %dma_start3A_138 = arith.constant 0 : i32
        %dma_start3A_139 = arith.constant 0 : i32
        %dma_start3A_140 = tpu.memref_slice %arg2[%dma_start3A_138, %dma_start3A_139] : memref<10240x128xf32, #tpu.memory_space<hbm>> -> memref<10240x128xf32, #tpu.memory_space<hbm>>
        tpu.enqueue_indirect_dma source(%dma_start3A_140 : memref<10240x128xf32, #tpu.memory_space<hbm>>) target(%arg12 : memref<128x128xf32, #tpu.memory_space<vmem>>) offsets(%arg8 : memref<128xi32, #tpu.memory_space<vmem>>) semaphore(%arg15 : memref<!tpu.dma_semaphore, #tpu.memory_space<semaphore_mem>>)
      } else {
      }
      %dma_wait3A_90 = arith.constant 0 : i32
      %dma_wait3A_91 = arith.constant 0 : i32
      %dma_wait3A_92 = tpu.memref_slice %arg4[%dma_wait3A_90, %dma_wait3A_91] : memref<2560x128xi32, #tpu.memory_space<hbm>> -> memref<1x128xi32, #tpu.memory_space<hbm>>
      %dma_wait3A_93 = tpu.memref_squeeze %dma_wait3A_92 : memref<1x128xi32, #tpu.memory_space<hbm>> -> memref<128xi32, #tpu.memory_space<hbm>>
      %dma_wait3A_94 = arith.constant 0 : i32
      %dma_wait3A_95 = tpu.memref_slice %arg4[%dma_wait3A_90, %dma_wait3A_94] : memref<2560x128xi32, #tpu.memory_space<hbm>> -> memref<1x128xi32, #tpu.memory_space<hbm>>
      %dma_wait3A_96 = tpu.memref_squeeze %dma_wait3A_95 : memref<1x128xi32, #tpu.memory_space<hbm>> -> memref<128xi32, #tpu.memory_space<hbm>>
      tpu.wait_dma2 semaphore(%arg18 : memref<!tpu.dma_semaphore, #tpu.memory_space<semaphore_mem>>) src(%dma_wait3A_96 : memref<128xi32, #tpu.memory_space<hbm>>) dst(%arg9 : memref<128xi32, #tpu.memory_space<vmem>>)
      "tpu.region"() ({
        %run_scoped3A = tpu.sem_alloc : memref<!tpu.dma_semaphore, #tpu.memory_space<semaphore_mem>>
        %dma_start3A_131 = arith.constant 0 : i32
        %dma_start3A_132 = arith.constant 0 : i32
        %dma_start3A_133 = tpu.memref_slice %arg13[%dma_start3A_131, %dma_start3A_132] : memref<10240x128xf32, #tpu.memory_space<vmem_shared>> -> memref<10240x128xf32, #tpu.memory_space<vmem_shared>>
        tpu.enqueue_indirect_dma source(%arg11 : memref<128x128xf32, #tpu.memory_space<vmem>>) target(%dma_start3A_133 : memref<10240x128xf32, #tpu.memory_space<vmem_shared>>) offsets(%arg9 : memref<128xi32, #tpu.memory_space<vmem>>) semaphore(%run_scoped3A : memref<!tpu.dma_semaphore, #tpu.memory_space<semaphore_mem>>) {add = true}
        %dma_wait3A_134 = arith.constant 0 : i32
        %dma_wait3A_135 = arith.constant 0 : i32
        %dma_wait3A_136 = tpu.memref_slice %arg13[%dma_wait3A_134, %dma_wait3A_135] : memref<10240x128xf32, #tpu.memory_space<vmem_shared>> -> memref<10240x128xf32, #tpu.memory_space<vmem_shared>>
        tpu.wait_indirect_dma semaphore(%run_scoped3A : memref<!tpu.dma_semaphore, #tpu.memory_space<semaphore_mem>>) src(%arg11 : memref<128x128xf32, #tpu.memory_space<vmem>>) dst(%dma_wait3A_136 : memref<10240x128xf32, #tpu.memory_space<vmem_shared>>)
        tpu.yield
      }) : () -> ()
      %add3A_97 = arith.constant 2 : i32
      %add3A_98 = arith.addi %mul3A_83, %add3A_97 : i32
      %lt3A_99 = arith.cmpi slt, %add3A_98, %select_n3A_2 : i32
      %convert_element_type3A_100 = arith.extui %lt3A_99 : i1 to i32
      %cond3A_101 = arith.constant 0 : i32
      %cond3A_102 = arith.cmpi ne, %convert_element_type3A_100, %cond3A_101 : i32
      scf.if %cond3A_102 {
        %add3A_131 = arith.constant 2 : i32
        %add3A_132 = arith.addi %add3A_81, %add3A_131 : i32
        %dma_start3A_133 = arith.constant 0 : i32
        %dma_start3A_134 = tpu.memref_slice %arg3[%add3A_132, %dma_start3A_133] : memref<2560x128xi32, #tpu.memory_space<hbm>> -> memref<1x128xi32, #tpu.memory_space<hbm>>
        %dma_start3A_135 = tpu.memref_squeeze %dma_start3A_134 : memref<1x128xi32, #tpu.memory_space<hbm>> -> memref<128xi32, #tpu.memory_space<hbm>>
        %dma_start3A_136 = arith.constant 0 : i32
        %dma_start3A_137 = tpu.memref_slice %arg3[%add3A_132, %dma_start3A_136] : memref<2560x128xi32, #tpu.memory_space<hbm>> -> memref<1x128xi32, #tpu.memory_space<hbm>>
        %dma_start3A_138 = tpu.memref_squeeze %dma_start3A_137 : memref<1x128xi32, #tpu.memory_space<hbm>> -> memref<128xi32, #tpu.memory_space<hbm>>
        tpu.enqueue_dma source(%dma_start3A_138 : memref<128xi32, #tpu.memory_space<hbm>>) target(%arg7 : memref<128xi32, #tpu.memory_space<vmem>>) target_semaphore(%arg16 : memref<!tpu.dma_semaphore, #tpu.memory_space<semaphore_mem>>)
        %add3A_139 = arith.constant 2 : i32
        %add3A_140 = arith.addi %add3A_81, %add3A_139 : i32
        %dma_start3A_141 = arith.constant 0 : i32
        %dma_start3A_142 = tpu.memref_slice %arg4[%add3A_140, %dma_start3A_141] : memref<2560x128xi32, #tpu.memory_space<hbm>> -> memref<1x128xi32, #tpu.memory_space<hbm>>
        %dma_start3A_143 = tpu.memref_squeeze %dma_start3A_142 : memref<1x128xi32, #tpu.memory_space<hbm>> -> memref<128xi32, #tpu.memory_space<hbm>>
        %dma_start3A_144 = arith.constant 0 : i32
        %dma_start3A_145 = tpu.memref_slice %arg4[%add3A_140, %dma_start3A_144] : memref<2560x128xi32, #tpu.memory_space<hbm>> -> memref<1x128xi32, #tpu.memory_space<hbm>>
        %dma_start3A_146 = tpu.memref_squeeze %dma_start3A_145 : memref<1x128xi32, #tpu.memory_space<hbm>> -> memref<128xi32, #tpu.memory_space<hbm>>
        tpu.enqueue_dma source(%dma_start3A_146 : memref<128xi32, #tpu.memory_space<hbm>>) target(%arg9 : memref<128xi32, #tpu.memory_space<vmem>>) target_semaphore(%arg18 : memref<!tpu.dma_semaphore, #tpu.memory_space<semaphore_mem>>)
      } else {
      }
      %add3A_103 = arith.constant 1 : i32
      %add3A_104 = arith.addi %add3A_81, %add3A_103 : i32
      %mul3A_105 = arith.constant 2 : i32
      %mul3A_106 = arith.muli %mul3A_105, %while3A_78 : i32
      %add3A_107 = arith.constant 1 : i32
      %add3A_108 = arith.addi %mul3A_106, %add3A_107 : i32
      %dma_wait3A_109 = arith.constant 0 : i32
      %dma_wait3A_110 = arith.constant 0 : i32
      %dma_wait3A_111 = tpu.memref_slice %arg2[%dma_wait3A_109, %dma_wait3A_110] : memref<10240x128xf32, #tpu.memory_space<hbm>> -> memref<10240x128xf32, #tpu.memory_space<hbm>>
      tpu.wait_indirect_dma semaphore(%arg15 : memref<!tpu.dma_semaphore, #tpu.memory_space<semaphore_mem>>) src(%dma_wait3A_111 : memref<10240x128xf32, #tpu.memory_space<hbm>>) dst(%arg12 : memref<128x128xf32, #tpu.memory_space<vmem>>)
      %add3A_112 = arith.constant 1 : i32
      %add3A_113 = arith.addi %add3A_108, %add3A_112 : i32
      %lt3A_114 = arith.cmpi slt, %add3A_113, %select_n3A_2 : i32
      %convert_element_type3A_115 = arith.extui %lt3A_114 : i1 to i32
      %cond3A_116 = arith.constant 0 : i32
      %cond3A_117 = arith.cmpi ne, %convert_element_type3A_115, %cond3A_116 : i32
      scf.if %cond3A_117 {
        %dma_wait3A_131 = arith.constant 0 : i32
        %dma_wait3A_132 = arith.constant 0 : i32
        %dma_wait3A_133 = tpu.memref_slice %arg3[%dma_wait3A_131, %dma_wait3A_132] : memref<2560x128xi32, #tpu.memory_space<hbm>> -> memref<1x128xi32, #tpu.memory_space<hbm>>
        %dma_wait3A_134 = tpu.memref_squeeze %dma_wait3A_133 : memref<1x128xi32, #tpu.memory_space<hbm>> -> memref<128xi32, #tpu.memory_space<hbm>>
        %dma_wait3A_135 = arith.constant 0 : i32
        %dma_wait3A_136 = tpu.memref_slice %arg3[%dma_wait3A_131, %dma_wait3A_135] : memref<2560x128xi32, #tpu.memory_space<hbm>> -> memref<1x128xi32, #tpu.memory_space<hbm>>
        %dma_wait3A_137 = tpu.memref_squeeze %dma_wait3A_136 : memref<1x128xi32, #tpu.memory_space<hbm>> -> memref<128xi32, #tpu.memory_space<hbm>>
        tpu.wait_dma2 semaphore(%arg16 : memref<!tpu.dma_semaphore, #tpu.memory_space<semaphore_mem>>) src(%dma_wait3A_137 : memref<128xi32, #tpu.memory_space<hbm>>) dst(%arg7 : memref<128xi32, #tpu.memory_space<vmem>>)
        %dma_start3A_138 = arith.constant 0 : i32
        %dma_start3A_139 = arith.constant 0 : i32
        %dma_start3A_140 = tpu.memref_slice %arg2[%dma_start3A_138, %dma_start3A_139] : memref<10240x128xf32, #tpu.memory_space<hbm>> -> memref<10240x128xf32, #tpu.memory_space<hbm>>
        tpu.enqueue_indirect_dma source(%dma_start3A_140 : memref<10240x128xf32, #tpu.memory_space<hbm>>) target(%arg11 : memref<128x128xf32, #tpu.memory_space<vmem>>) offsets(%arg7 : memref<128xi32, #tpu.memory_space<vmem>>) semaphore(%arg14 : memref<!tpu.dma_semaphore, #tpu.memory_space<semaphore_mem>>)
      } else {
      }
      %dma_wait3A_118 = arith.constant 0 : i32
      %dma_wait3A_119 = arith.constant 0 : i32
      %dma_wait3A_120 = tpu.memref_slice %arg4[%dma_wait3A_118, %dma_wait3A_119] : memref<2560x128xi32, #tpu.memory_space<hbm>> -> memref<1x128xi32, #tpu.memory_space<hbm>>
      %dma_wait3A_121 = tpu.memref_squeeze %dma_wait3A_120 : memref<1x128xi32, #tpu.memory_space<hbm>> -> memref<128xi32, #tpu.memory_space<hbm>>
      %dma_wait3A_122 = arith.constant 0 : i32
      %dma_wait3A_123 = tpu.memref_slice %arg4[%dma_wait3A_118, %dma_wait3A_122] : memref<2560x128xi32, #tpu.memory_space<hbm>> -> memref<1x128xi32, #tpu.memory_space<hbm>>
      %dma_wait3A_124 = tpu.memref_squeeze %dma_wait3A_123 : memref<1x128xi32, #tpu.memory_space<hbm>> -> memref<128xi32, #tpu.memory_space<hbm>>
      tpu.wait_dma2 semaphore(%arg19 : memref<!tpu.dma_semaphore, #tpu.memory_space<semaphore_mem>>) src(%dma_wait3A_124 : memref<128xi32, #tpu.memory_space<hbm>>) dst(%arg10 : memref<128xi32, #tpu.memory_space<vmem>>)
      "tpu.region"() ({
        %run_scoped3A = tpu.sem_alloc : memref<!tpu.dma_semaphore, #tpu.memory_space<semaphore_mem>>
        %dma_start3A_131 = arith.constant 0 : i32
        %dma_start3A_132 = arith.constant 0 : i32
        %dma_start3A_133 = tpu.memref_slice %arg13[%dma_start3A_131, %dma_start3A_132] : memref<10240x128xf32, #tpu.memory_space<vmem_shared>> -> memref<10240x128xf32, #tpu.memory_space<vmem_shared>>
        tpu.enqueue_indirect_dma source(%arg12 : memref<128x128xf32, #tpu.memory_space<vmem>>) target(%dma_start3A_133 : memref<10240x128xf32, #tpu.memory_space<vmem_shared>>) offsets(%arg10 : memref<128xi32, #tpu.memory_space<vmem>>) semaphore(%run_scoped3A : memref<!tpu.dma_semaphore, #tpu.memory_space<semaphore_mem>>) {add = true}
        %dma_wait3A_134 = arith.constant 0 : i32
        %dma_wait3A_135 = arith.constant 0 : i32
        %dma_wait3A_136 = tpu.memref_slice %arg13[%dma_wait3A_134, %dma_wait3A_135] : memref<10240x128xf32, #tpu.memory_space<vmem_shared>> -> memref<10240x128xf32, #tpu.memory_space<vmem_shared>>
        tpu.wait_indirect_dma semaphore(%run_scoped3A : memref<!tpu.dma_semaphore, #tpu.memory_space<semaphore_mem>>) src(%arg12 : memref<128x128xf32, #tpu.memory_space<vmem>>) dst(%dma_wait3A_136 : memref<10240x128xf32, #tpu.memory_space<vmem_shared>>)
        tpu.yield
      }) : () -> ()
      %add3A_125 = arith.constant 2 : i32
      %add3A_126 = arith.addi %add3A_108, %add3A_125 : i32
      %lt3A_127 = arith.cmpi slt, %add3A_126, %select_n3A_2 : i32
      %convert_element_type3A_128 = arith.extui %lt3A_127 : i1 to i32
      %cond3A_129 = arith.constant 0 : i32
      %cond3A_130 = arith.cmpi ne, %convert_element_type3A_128, %cond3A_129 : i32
      scf.if %cond3A_130 {
        %add3A_131 = arith.constant 2 : i32
        %add3A_132 = arith.addi %add3A_104, %add3A_131 : i32
        %dma_start3A_133 = arith.constant 0 : i32
        %dma_start3A_134 = tpu.memref_slice %arg3[%add3A_132, %dma_start3A_133] : memref<2560x128xi32, #tpu.memory_space<hbm>> -> memref<1x128xi32, #tpu.memory_space<hbm>>
        %dma_start3A_135 = tpu.memref_squeeze %dma_start3A_134 : memref<1x128xi32, #tpu.memory_space<hbm>> -> memref<128xi32, #tpu.memory_space<hbm>>
        %dma_start3A_136 = arith.constant 0 : i32
        %dma_start3A_137 = tpu.memref_slice %arg3[%add3A_132, %dma_start3A_136] : memref<2560x128xi32, #tpu.memory_space<hbm>> -> memref<1x128xi32, #tpu.memory_space<hbm>>
        %dma_start3A_138 = tpu.memref_squeeze %dma_start3A_137 : memref<1x128xi32, #tpu.memory_space<hbm>> -> memref<128xi32, #tpu.memory_space<hbm>>
        tpu.enqueue_dma source(%dma_start3A_138 : memref<128xi32, #tpu.memory_space<hbm>>) target(%arg8 : memref<128xi32, #tpu.memory_space<vmem>>) target_semaphore(%arg17 : memref<!tpu.dma_semaphore, #tpu.memory_space<semaphore_mem>>)
        %add3A_139 = arith.constant 2 : i32
        %add3A_140 = arith.addi %add3A_104, %add3A_139 : i32
        %dma_start3A_141 = arith.constant 0 : i32
        %dma_start3A_142 = tpu.memref_slice %arg4[%add3A_140, %dma_start3A_141] : memref<2560x128xi32, #tpu.memory_space<hbm>> -> memref<1x128xi32, #tpu.memory_space<hbm>>
        %dma_start3A_143 = tpu.memref_squeeze %dma_start3A_142 : memref<1x128xi32, #tpu.memory_space<hbm>> -> memref<128xi32, #tpu.memory_space<hbm>>
        %dma_start3A_144 = arith.constant 0 : i32
        %dma_start3A_145 = tpu.memref_slice %arg4[%add3A_140, %dma_start3A_144] : memref<2560x128xi32, #tpu.memory_space<hbm>> -> memref<1x128xi32, #tpu.memory_space<hbm>>
        %dma_start3A_146 = tpu.memref_squeeze %dma_start3A_145 : memref<1x128xi32, #tpu.memory_space<hbm>> -> memref<128xi32, #tpu.memory_space<hbm>>
        tpu.enqueue_dma source(%dma_start3A_146 : memref<128xi32, #tpu.memory_space<hbm>>) target(%arg10 : memref<128xi32, #tpu.memory_space<vmem>>) target_semaphore(%arg19 : memref<!tpu.dma_semaphore, #tpu.memory_space<semaphore_mem>>)
      } else {
      }
    }
    %barrier3A_73 = arith.constant 0 : index
    tpu.barrier barrier_id(%barrier3A_73)
    %mul3A_74 = arith.constant 640 : i32
    %mul3A_75 = arith.muli %arg1, %mul3A_74 : i32
    %mul3A_76 = arith.constant 640 : i32
    %mul3A_77 = arith.muli %arg1, %mul3A_76 : i32
    "tpu.region"() ({
      %run_scoped3A = tpu.sem_alloc : memref<!tpu.dma_semaphore, #tpu.memory_space<semaphore_mem>>
      %dma_start3A_78 = arith.constant 0 : i32
      %dma_start3A_79 = tpu.memref_slice %arg6[%arg0, %mul3A_77, %dma_start3A_78] : memref<2x10240x128xf32, #tpu.memory_space<hbm>> -> memref<1x640x128xf32, #tpu.memory_space<hbm>>
      %dma_start3A_80 = tpu.memref_squeeze %dma_start3A_79 : memref<1x640x128xf32, #tpu.memory_space<hbm>> -> memref<640x128xf32, #tpu.memory_space<hbm>>
      %dma_start3A_81 = arith.constant 0 : i32
      %dma_start3A_82 = tpu.memref_slice %arg13[%mul3A_75, %dma_start3A_81] : memref<10240x128xf32, #tpu.memory_space<vmem_shared>> -> memref<640x128xf32, #tpu.memory_space<vmem_shared>>
      tpu.enqueue_dma source(%dma_start3A_82 : memref<640x128xf32, #tpu.memory_space<vmem_shared>>) target(%dma_start3A_80 : memref<640x128xf32, #tpu.memory_space<hbm>>) target_semaphore(%run_scoped3A : memref<!tpu.dma_semaphore, #tpu.memory_space<semaphore_mem>>)
      %dma_wait3A_83 = arith.constant 0 : i32
      %dma_wait3A_84 = tpu.memref_slice %arg6[%arg0, %mul3A_77, %dma_wait3A_83] : memref<2x10240x128xf32, #tpu.memory_space<hbm>> -> memref<1x640x128xf32, #tpu.memory_space<hbm>>
      %dma_wait3A_85 = tpu.memref_squeeze %dma_wait3A_84 : memref<1x640x128xf32, #tpu.memory_space<hbm>> -> memref<640x128xf32, #tpu.memory_space<hbm>>
      %dma_wait3A_86 = arith.constant 0 : i32
      %dma_wait3A_87 = tpu.memref_slice %arg13[%mul3A_75, %dma_wait3A_86] : memref<10240x128xf32, #tpu.memory_space<vmem_shared>> -> memref<640x128xf32, #tpu.memory_space<vmem_shared>>
      tpu.wait_dma2 semaphore(%run_scoped3A : memref<!tpu.dma_semaphore, #tpu.memory_space<semaphore_mem>>) src(%dma_wait3A_87 : memref<640x128xf32, #tpu.memory_space<vmem_shared>>) dst(%dma_wait3A_85 : memref<640x128xf32, #tpu.memory_space<hbm>>)
      tpu.yield
    }) : () -> ()
    return
  }
}

#map = affine_map<(d0, d1) -> (0, 0)>
#map1 = affine_map<(d0, d1) -> (0)>
module attributes {stable_mosaic.version = 14 : i64} {
  func.func @_deg_kernel(%arg0: i32, %arg1: i32, %arg2: memref<2560x128xi32, #tpu.memory_space<hbm>>, %arg3: memref<10240xf32, #tpu.memory_space<hbm>>, %arg4: memref<32x10240xf32, #tpu.memory_space<hbm>>, %arg5: memref<80x128xi32, #tpu.memory_space<vmem>>, %arg6: memref<10240xf32, #tpu.memory_space<vmem>>) attributes {dimension_semantics = [#tpu.dimension_semantics<core_parallel>, #tpu.dimension_semantics<subcore_parallel>], iteration_bounds = array<i64: 2, 16>, scalar_prefetch = 0 : i64, scratch_operands = 2 : i64, tpu.core_type = #tpu.core_type<sc_vector_subcore>, window_params = [{transform_indices = #map}, {transform_indices = #map1}, {transform_indices = #map}]} {
    %mul3A = arith.constant 2 : i32
    %mul3A_0 = arith.muli %arg1, %mul3A : i32
    %add3A = arith.addi %mul3A_0, %arg0 : i32
    "tpu.region"() ({
      %run_scoped3A = tpu.sem_alloc : memref<!tpu.dma_semaphore, #tpu.memory_space<semaphore_mem>>
      tpu.enqueue_dma source(%arg3 : memref<10240xf32, #tpu.memory_space<hbm>>) target(%arg6 : memref<10240xf32, #tpu.memory_space<vmem>>) target_semaphore(%run_scoped3A : memref<!tpu.dma_semaphore, #tpu.memory_space<semaphore_mem>>)
      tpu.wait_dma2 semaphore(%run_scoped3A : memref<!tpu.dma_semaphore, #tpu.memory_space<semaphore_mem>>) src(%arg3 : memref<10240xf32, #tpu.memory_space<hbm>>) dst(%arg6 : memref<10240xf32, #tpu.memory_space<vmem>>)
      tpu.yield
    }) : () -> ()
    %mul3A_1 = arith.constant 80 : i32
    %mul3A_2 = arith.muli %add3A, %mul3A_1 : i32
    "tpu.region"() ({
      %run_scoped3A = tpu.sem_alloc : memref<!tpu.dma_semaphore, #tpu.memory_space<semaphore_mem>>
      %dma_start3A = arith.constant 0 : i32
      %dma_start3A_9 = tpu.memref_slice %arg2[%mul3A_2, %dma_start3A] : memref<2560x128xi32, #tpu.memory_space<hbm>> -> memref<80x128xi32, #tpu.memory_space<hbm>>
      %dma_start3A_10 = arith.constant 0 : i32
      %dma_start3A_11 = tpu.memref_slice %arg2[%mul3A_2, %dma_start3A_10] : memref<2560x128xi32, #tpu.memory_space<hbm>> -> memref<80x128xi32, #tpu.memory_space<hbm>>
      tpu.enqueue_dma source(%dma_start3A_11 : memref<80x128xi32, #tpu.memory_space<hbm>>) target(%arg5 : memref<80x128xi32, #tpu.memory_space<vmem>>) target_semaphore(%run_scoped3A : memref<!tpu.dma_semaphore, #tpu.memory_space<semaphore_mem>>)
      %dma_wait3A = arith.constant 0 : i32
      %dma_wait3A_12 = tpu.memref_slice %arg2[%mul3A_2, %dma_wait3A] : memref<2560x128xi32, #tpu.memory_space<hbm>> -> memref<80x128xi32, #tpu.memory_space<hbm>>
      %dma_wait3A_13 = arith.constant 0 : i32
      %dma_wait3A_14 = tpu.memref_slice %arg2[%mul3A_2, %dma_wait3A_13] : memref<2560x128xi32, #tpu.memory_space<hbm>> -> memref<80x128xi32, #tpu.memory_space<hbm>>
      tpu.wait_dma2 semaphore(%run_scoped3A : memref<!tpu.dma_semaphore, #tpu.memory_space<semaphore_mem>>) src(%dma_wait3A_14 : memref<80x128xi32, #tpu.memory_space<hbm>>) dst(%arg5 : memref<80x128xi32, #tpu.memory_space<vmem>>)
      tpu.yield
    }) : () -> ()
    %broadcast_in_dim3A = arith.constant 1.000000e+00 : f32
    %broadcast_in_dim3A_3 = vector.broadcast %broadcast_in_dim3A : f32 to vector<16xf32>
    %scan3A = arith.constant 0 : i32
    %scan3A_4 = arith.constant 0 : i32
    %scan3A_5 = arith.constant 640 : i32
    %scan3A_6 = arith.addi %scan3A_4, %scan3A_5 : i32
    %scan3A_7 = arith.constant 8 : i32
    scf.for %scan3A_9 = %scan3A_4 to %scan3A_6 step %scan3A_7  : i32 {
      %jit3A = arith.constant 8 : i32
      %div3A = arith.divsi %scan3A_9, %jit3A : i32
      %sign3A = arith.constant 0 : i32
      %sign3A_10 = arith.cmpi sgt, %scan3A_9, %sign3A : i32
      %sign3A_11 = arith.extui %sign3A_10 : i1 to i32
      %sign3A_12 = arith.constant 0 : i32
      %sign3A_13 = arith.cmpi slt, %scan3A_9, %sign3A_12 : i32
      %sign3A_14 = arith.extui %sign3A_13 : i1 to i32
      %sign3A_15 = arith.subi %sign3A_11, %sign3A_14 : i32
      %sign3A_16 = arith.constant 0 : i32
      %sign3A_17 = arith.cmpi sgt, %jit3A, %sign3A_16 : i32
      %sign3A_18 = arith.extui %sign3A_17 : i1 to i32
      %sign3A_19 = arith.constant 0 : i32
      %sign3A_20 = arith.cmpi slt, %jit3A, %sign3A_19 : i32
      %sign3A_21 = arith.extui %sign3A_20 : i1 to i32
      %sign3A_22 = arith.subi %sign3A_18, %sign3A_21 : i32
      %ne3A = arith.cmpi ne, %sign3A_15, %sign3A_22 : i32
      %rem3A = arith.remsi %scan3A_9, %jit3A : i32
      %ne3A_23 = arith.constant 0 : i32
      %ne3A_24 = arith.cmpi ne, %rem3A, %ne3A_23 : i32
      %and3A = arith.andi %ne3A, %ne3A_24 : i1
      %sub3A = arith.constant 1 : i32
      %sub3A_25 = arith.subi %div3A, %sub3A : i32
      %select_n3A = arith.select %and3A, %sub3A_25, %div3A : i32
      %jit3A_26 = arith.constant 8 : i32
      %eq3A = arith.constant 0 : i32
      %eq3A_27 = arith.cmpi eq, %jit3A_26, %eq3A : i32
      %jit3A_28 = arith.constant 1 : i32
      %select_n3A_29 = arith.select %eq3A_27, %jit3A_28, %jit3A_26 : i32
      %rem3A_30 = arith.remsi %scan3A_9, %select_n3A_29 : i32
      %ne3A_31 = arith.constant 0 : i32
      %ne3A_32 = arith.cmpi ne, %rem3A_30, %ne3A_31 : i32
      %lt3A = arith.constant 0 : i32
      %lt3A_33 = arith.cmpi slt, %rem3A_30, %lt3A : i32
      %lt3A_34 = arith.constant 0 : i32
      %lt3A_35 = arith.cmpi slt, %select_n3A_29, %lt3A_34 : i32
      %ne3A_36 = arith.xori %lt3A_33, %lt3A_35 : i1
      %and3A_37 = arith.andi %ne3A_36, %ne3A_32 : i1
      %add3A_38 = arith.addi %rem3A_30, %select_n3A_29 : i32
      %select_n3A_39 = arith.select %and3A_37, %add3A_38, %rem3A_30 : i32
      %mul3A_40 = arith.constant 16 : i32
      %mul3A_41 = arith.muli %select_n3A_39, %mul3A_40 : i32
      %get3A = arith.index_cast %select_n3A : i32 to index
      %get3A_42 = arith.index_cast %mul3A_41 : i32 to index
      %get3A_43 = tpu.vector_load %arg5[%get3A, %get3A_42] {strides = array<i32>} : memref<80x128xi32, #tpu.memory_space<vmem>>, vector<16xi32>,
      tpu.vector_store_idx %arg6[%get3A_43], %broadcast_in_dim3A_3 {add = true} : memref<10240xf32, #tpu.memory_space<vmem>>[vector<16xi32>], vector<16xf32>,
      %scan3A_44 = arith.constant 1 : i32
      %scan3A_45 = arith.addi %scan3A_9, %scan3A_44 : i32
      %jit3A_46 = arith.constant 8 : i32
      %div3A_47 = arith.divsi %scan3A_45, %jit3A_46 : i32
      %sign3A_48 = arith.constant 0 : i32
      %sign3A_49 = arith.cmpi sgt, %scan3A_45, %sign3A_48 : i32
      %sign3A_50 = arith.extui %sign3A_49 : i1 to i32
      %sign3A_51 = arith.constant 0 : i32
      %sign3A_52 = arith.cmpi slt, %scan3A_45, %sign3A_51 : i32
      %sign3A_53 = arith.extui %sign3A_52 : i1 to i32
      %sign3A_54 = arith.subi %sign3A_50, %sign3A_53 : i32
      %sign3A_55 = arith.constant 0 : i32
      %sign3A_56 = arith.cmpi sgt, %jit3A_46, %sign3A_55 : i32
      %sign3A_57 = arith.extui %sign3A_56 : i1 to i32
      %sign3A_58 = arith.constant 0 : i32
      %sign3A_59 = arith.cmpi slt, %jit3A_46, %sign3A_58 : i32
      %sign3A_60 = arith.extui %sign3A_59 : i1 to i32
      %sign3A_61 = arith.subi %sign3A_57, %sign3A_60 : i32
      %ne3A_62 = arith.cmpi ne, %sign3A_54, %sign3A_61 : i32
      %rem3A_63 = arith.remsi %scan3A_45, %jit3A_46 : i32
      %ne3A_64 = arith.constant 0 : i32
      %ne3A_65 = arith.cmpi ne, %rem3A_63, %ne3A_64 : i32
      %and3A_66 = arith.andi %ne3A_62, %ne3A_65 : i1
      %sub3A_67 = arith.constant 1 : i32
      %sub3A_68 = arith.subi %div3A_47, %sub3A_67 : i32
      %select_n3A_69 = arith.select %and3A_66, %sub3A_68, %div3A_47 : i32
      %jit3A_70 = arith.constant 8 : i32
      %eq3A_71 = arith.constant 0 : i32
      %eq3A_72 = arith.cmpi eq, %jit3A_70, %eq3A_71 : i32
      %jit3A_73 = arith.constant 1 : i32
      %select_n3A_74 = arith.select %eq3A_72, %jit3A_73, %jit3A_70 : i32
      %rem3A_75 = arith.remsi %scan3A_45, %select_n3A_74 : i32
      %ne3A_76 = arith.constant 0 : i32
      %ne3A_77 = arith.cmpi ne, %rem3A_75, %ne3A_76 : i32
      %lt3A_78 = arith.constant 0 : i32
      %lt3A_79 = arith.cmpi slt, %rem3A_75, %lt3A_78 : i32
      %lt3A_80 = arith.constant 0 : i32
      %lt3A_81 = arith.cmpi slt, %select_n3A_74, %lt3A_80 : i32
      %ne3A_82 = arith.xori %lt3A_79, %lt3A_81 : i1
      %and3A_83 = arith.andi %ne3A_82, %ne3A_77 : i1
      %add3A_84 = arith.addi %rem3A_75, %select_n3A_74 : i32
      %select_n3A_85 = arith.select %and3A_83, %add3A_84, %rem3A_75 : i32
      %mul3A_86 = arith.constant 16 : i32
      %mul3A_87 = arith.muli %select_n3A_85, %mul3A_86 : i32
      %get3A_88 = arith.index_cast %select_n3A_69 : i32 to index
      %get3A_89 = arith.index_cast %mul3A_87 : i32 to index
      %get3A_90 = tpu.vector_load %arg5[%get3A_88, %get3A_89] {strides = array<i32>} : memref<80x128xi32, #tpu.memory_space<vmem>>, vector<16xi32>,
      tpu.vector_store_idx %arg6[%get3A_90], %broadcast_in_dim3A_3 {add = true} : memref<10240xf32, #tpu.memory_space<vmem>>[vector<16xi32>], vector<16xf32>,
      %scan3A_91 = arith.constant 2 : i32
      %scan3A_92 = arith.addi %scan3A_9, %scan3A_91 : i32
      %jit3A_93 = arith.constant 8 : i32
      %div3A_94 = arith.divsi %scan3A_92, %jit3A_93 : i32
      %sign3A_95 = arith.constant 0 : i32
      %sign3A_96 = arith.cmpi sgt, %scan3A_92, %sign3A_95 : i32
      %sign3A_97 = arith.extui %sign3A_96 : i1 to i32
      %sign3A_98 = arith.constant 0 : i32
      %sign3A_99 = arith.cmpi slt, %scan3A_92, %sign3A_98 : i32
      %sign3A_100 = arith.extui %sign3A_99 : i1 to i32
      %sign3A_101 = arith.subi %sign3A_97, %sign3A_100 : i32
      %sign3A_102 = arith.constant 0 : i32
      %sign3A_103 = arith.cmpi sgt, %jit3A_93, %sign3A_102 : i32
      %sign3A_104 = arith.extui %sign3A_103 : i1 to i32
      %sign3A_105 = arith.constant 0 : i32
      %sign3A_106 = arith.cmpi slt, %jit3A_93, %sign3A_105 : i32
      %sign3A_107 = arith.extui %sign3A_106 : i1 to i32
      %sign3A_108 = arith.subi %sign3A_104, %sign3A_107 : i32
      %ne3A_109 = arith.cmpi ne, %sign3A_101, %sign3A_108 : i32
      %rem3A_110 = arith.remsi %scan3A_92, %jit3A_93 : i32
      %ne3A_111 = arith.constant 0 : i32
      %ne3A_112 = arith.cmpi ne, %rem3A_110, %ne3A_111 : i32
      %and3A_113 = arith.andi %ne3A_109, %ne3A_112 : i1
      %sub3A_114 = arith.constant 1 : i32
      %sub3A_115 = arith.subi %div3A_94, %sub3A_114 : i32
      %select_n3A_116 = arith.select %and3A_113, %sub3A_115, %div3A_94 : i32
      %jit3A_117 = arith.constant 8 : i32
      %eq3A_118 = arith.constant 0 : i32
      %eq3A_119 = arith.cmpi eq, %jit3A_117, %eq3A_118 : i32
      %jit3A_120 = arith.constant 1 : i32
      %select_n3A_121 = arith.select %eq3A_119, %jit3A_120, %jit3A_117 : i32
      %rem3A_122 = arith.remsi %scan3A_92, %select_n3A_121 : i32
      %ne3A_123 = arith.constant 0 : i32
      %ne3A_124 = arith.cmpi ne, %rem3A_122, %ne3A_123 : i32
      %lt3A_125 = arith.constant 0 : i32
      %lt3A_126 = arith.cmpi slt, %rem3A_122, %lt3A_125 : i32
      %lt3A_127 = arith.constant 0 : i32
      %lt3A_128 = arith.cmpi slt, %select_n3A_121, %lt3A_127 : i32
      %ne3A_129 = arith.xori %lt3A_126, %lt3A_128 : i1
      %and3A_130 = arith.andi %ne3A_129, %ne3A_124 : i1
      %add3A_131 = arith.addi %rem3A_122, %select_n3A_121 : i32
      %select_n3A_132 = arith.select %and3A_130, %add3A_131, %rem3A_122 : i32
      %mul3A_133 = arith.constant 16 : i32
      %mul3A_134 = arith.muli %select_n3A_132, %mul3A_133 : i32
      %get3A_135 = arith.index_cast %select_n3A_116 : i32 to index
      %get3A_136 = arith.index_cast %mul3A_134 : i32 to index
      %get3A_137 = tpu.vector_load %arg5[%get3A_135, %get3A_136] {strides = array<i32>} : memref<80x128xi32, #tpu.memory_space<vmem>>, vector<16xi32>,
      tpu.vector_store_idx %arg6[%get3A_137], %broadcast_in_dim3A_3 {add = true} : memref<10240xf32, #tpu.memory_space<vmem>>[vector<16xi32>], vector<16xf32>,
      %scan3A_138 = arith.constant 3 : i32
      %scan3A_139 = arith.addi %scan3A_9, %scan3A_138 : i32
      %jit3A_140 = arith.constant 8 : i32
      %div3A_141 = arith.divsi %scan3A_139, %jit3A_140 : i32
      %sign3A_142 = arith.constant 0 : i32
      %sign3A_143 = arith.cmpi sgt, %scan3A_139, %sign3A_142 : i32
      %sign3A_144 = arith.extui %sign3A_143 : i1 to i32
      %sign3A_145 = arith.constant 0 : i32
      %sign3A_146 = arith.cmpi slt, %scan3A_139, %sign3A_145 : i32
      %sign3A_147 = arith.extui %sign3A_146 : i1 to i32
      %sign3A_148 = arith.subi %sign3A_144, %sign3A_147 : i32
      %sign3A_149 = arith.constant 0 : i32
      %sign3A_150 = arith.cmpi sgt, %jit3A_140, %sign3A_149 : i32
      %sign3A_151 = arith.extui %sign3A_150 : i1 to i32
      %sign3A_152 = arith.constant 0 : i32
      %sign3A_153 = arith.cmpi slt, %jit3A_140, %sign3A_152 : i32
      %sign3A_154 = arith.extui %sign3A_153 : i1 to i32
      %sign3A_155 = arith.subi %sign3A_151, %sign3A_154 : i32
      %ne3A_156 = arith.cmpi ne, %sign3A_148, %sign3A_155 : i32
      %rem3A_157 = arith.remsi %scan3A_139, %jit3A_140 : i32
      %ne3A_158 = arith.constant 0 : i32
      %ne3A_159 = arith.cmpi ne, %rem3A_157, %ne3A_158 : i32
      %and3A_160 = arith.andi %ne3A_156, %ne3A_159 : i1
      %sub3A_161 = arith.constant 1 : i32
      %sub3A_162 = arith.subi %div3A_141, %sub3A_161 : i32
      %select_n3A_163 = arith.select %and3A_160, %sub3A_162, %div3A_141 : i32
      %jit3A_164 = arith.constant 8 : i32
      %eq3A_165 = arith.constant 0 : i32
      %eq3A_166 = arith.cmpi eq, %jit3A_164, %eq3A_165 : i32
      %jit3A_167 = arith.constant 1 : i32
      %select_n3A_168 = arith.select %eq3A_166, %jit3A_167, %jit3A_164 : i32
      %rem3A_169 = arith.remsi %scan3A_139, %select_n3A_168 : i32
      %ne3A_170 = arith.constant 0 : i32
      %ne3A_171 = arith.cmpi ne, %rem3A_169, %ne3A_170 : i32
      %lt3A_172 = arith.constant 0 : i32
      %lt3A_173 = arith.cmpi slt, %rem3A_169, %lt3A_172 : i32
      %lt3A_174 = arith.constant 0 : i32
      %lt3A_175 = arith.cmpi slt, %select_n3A_168, %lt3A_174 : i32
      %ne3A_176 = arith.xori %lt3A_173, %lt3A_175 : i1
      %and3A_177 = arith.andi %ne3A_176, %ne3A_171 : i1
      %add3A_178 = arith.addi %rem3A_169, %select_n3A_168 : i32
      %select_n3A_179 = arith.select %and3A_177, %add3A_178, %rem3A_169 : i32
      %mul3A_180 = arith.constant 16 : i32
      %mul3A_181 = arith.muli %select_n3A_179, %mul3A_180 : i32
      %get3A_182 = arith.index_cast %select_n3A_163 : i32 to index
      %get3A_183 = arith.index_cast %mul3A_181 : i32 to index
      %get3A_184 = tpu.vector_load %arg5[%get3A_182, %get3A_183] {strides = array<i32>} : memref<80x128xi32, #tpu.memory_space<vmem>>, vector<16xi32>,
      tpu.vector_store_idx %arg6[%get3A_184], %broadcast_in_dim3A_3 {add = true} : memref<10240xf32, #tpu.memory_space<vmem>>[vector<16xi32>], vector<16xf32>,
      %scan3A_185 = arith.constant 4 : i32
      %scan3A_186 = arith.addi %scan3A_9, %scan3A_185 : i32
      %jit3A_187 = arith.constant 8 : i32
      %div3A_188 = arith.divsi %scan3A_186, %jit3A_187 : i32
      %sign3A_189 = arith.constant 0 : i32
      %sign3A_190 = arith.cmpi sgt, %scan3A_186, %sign3A_189 : i32
      %sign3A_191 = arith.extui %sign3A_190 : i1 to i32
      %sign3A_192 = arith.constant 0 : i32
      %sign3A_193 = arith.cmpi slt, %scan3A_186, %sign3A_192 : i32
      %sign3A_194 = arith.extui %sign3A_193 : i1 to i32
      %sign3A_195 = arith.subi %sign3A_191, %sign3A_194 : i32
      %sign3A_196 = arith.constant 0 : i32
      %sign3A_197 = arith.cmpi sgt, %jit3A_187, %sign3A_196 : i32
      %sign3A_198 = arith.extui %sign3A_197 : i1 to i32
      %sign3A_199 = arith.constant 0 : i32
      %sign3A_200 = arith.cmpi slt, %jit3A_187, %sign3A_199 : i32
      %sign3A_201 = arith.extui %sign3A_200 : i1 to i32
      %sign3A_202 = arith.subi %sign3A_198, %sign3A_201 : i32
      %ne3A_203 = arith.cmpi ne, %sign3A_195, %sign3A_202 : i32
      %rem3A_204 = arith.remsi %scan3A_186, %jit3A_187 : i32
      %ne3A_205 = arith.constant 0 : i32
      %ne3A_206 = arith.cmpi ne, %rem3A_204, %ne3A_205 : i32
      %and3A_207 = arith.andi %ne3A_203, %ne3A_206 : i1
      %sub3A_208 = arith.constant 1 : i32
      %sub3A_209 = arith.subi %div3A_188, %sub3A_208 : i32
      %select_n3A_210 = arith.select %and3A_207, %sub3A_209, %div3A_188 : i32
      %jit3A_211 = arith.constant 8 : i32
      %eq3A_212 = arith.constant 0 : i32
      %eq3A_213 = arith.cmpi eq, %jit3A_211, %eq3A_212 : i32
      %jit3A_214 = arith.constant 1 : i32
      %select_n3A_215 = arith.select %eq3A_213, %jit3A_214, %jit3A_211 : i32
      %rem3A_216 = arith.remsi %scan3A_186, %select_n3A_215 : i32
      %ne3A_217 = arith.constant 0 : i32
      %ne3A_218 = arith.cmpi ne, %rem3A_216, %ne3A_217 : i32
      %lt3A_219 = arith.constant 0 : i32
      %lt3A_220 = arith.cmpi slt, %rem3A_216, %lt3A_219 : i32
      %lt3A_221 = arith.constant 0 : i32
      %lt3A_222 = arith.cmpi slt, %select_n3A_215, %lt3A_221 : i32
      %ne3A_223 = arith.xori %lt3A_220, %lt3A_222 : i1
      %and3A_224 = arith.andi %ne3A_223, %ne3A_218 : i1
      %add3A_225 = arith.addi %rem3A_216, %select_n3A_215 : i32
      %select_n3A_226 = arith.select %and3A_224, %add3A_225, %rem3A_216 : i32
      %mul3A_227 = arith.constant 16 : i32
      %mul3A_228 = arith.muli %select_n3A_226, %mul3A_227 : i32
      %get3A_229 = arith.index_cast %select_n3A_210 : i32 to index
      %get3A_230 = arith.index_cast %mul3A_228 : i32 to index
      %get3A_231 = tpu.vector_load %arg5[%get3A_229, %get3A_230] {strides = array<i32>} : memref<80x128xi32, #tpu.memory_space<vmem>>, vector<16xi32>,
      tpu.vector_store_idx %arg6[%get3A_231], %broadcast_in_dim3A_3 {add = true} : memref<10240xf32, #tpu.memory_space<vmem>>[vector<16xi32>], vector<16xf32>,
      %scan3A_232 = arith.constant 5 : i32
      %scan3A_233 = arith.addi %scan3A_9, %scan3A_232 : i32
      %jit3A_234 = arith.constant 8 : i32
      %div3A_235 = arith.divsi %scan3A_233, %jit3A_234 : i32
      %sign3A_236 = arith.constant 0 : i32
      %sign3A_237 = arith.cmpi sgt, %scan3A_233, %sign3A_236 : i32
      %sign3A_238 = arith.extui %sign3A_237 : i1 to i32
      %sign3A_239 = arith.constant 0 : i32
      %sign3A_240 = arith.cmpi slt, %scan3A_233, %sign3A_239 : i32
      %sign3A_241 = arith.extui %sign3A_240 : i1 to i32
      %sign3A_242 = arith.subi %sign3A_238, %sign3A_241 : i32
      %sign3A_243 = arith.constant 0 : i32
      %sign3A_244 = arith.cmpi sgt, %jit3A_234, %sign3A_243 : i32
      %sign3A_245 = arith.extui %sign3A_244 : i1 to i32
      %sign3A_246 = arith.constant 0 : i32
      %sign3A_247 = arith.cmpi slt, %jit3A_234, %sign3A_246 : i32
      %sign3A_248 = arith.extui %sign3A_247 : i1 to i32
      %sign3A_249 = arith.subi %sign3A_245, %sign3A_248 : i32
      %ne3A_250 = arith.cmpi ne, %sign3A_242, %sign3A_249 : i32
      %rem3A_251 = arith.remsi %scan3A_233, %jit3A_234 : i32
      %ne3A_252 = arith.constant 0 : i32
      %ne3A_253 = arith.cmpi ne, %rem3A_251, %ne3A_252 : i32
      %and3A_254 = arith.andi %ne3A_250, %ne3A_253 : i1
      %sub3A_255 = arith.constant 1 : i32
      %sub3A_256 = arith.subi %div3A_235, %sub3A_255 : i32
      %select_n3A_257 = arith.select %and3A_254, %sub3A_256, %div3A_235 : i32
      %jit3A_258 = arith.constant 8 : i32
      %eq3A_259 = arith.constant 0 : i32
      %eq3A_260 = arith.cmpi eq, %jit3A_258, %eq3A_259 : i32
      %jit3A_261 = arith.constant 1 : i32
      %select_n3A_262 = arith.select %eq3A_260, %jit3A_261, %jit3A_258 : i32
      %rem3A_263 = arith.remsi %scan3A_233, %select_n3A_262 : i32
      %ne3A_264 = arith.constant 0 : i32
      %ne3A_265 = arith.cmpi ne, %rem3A_263, %ne3A_264 : i32
      %lt3A_266 = arith.constant 0 : i32
      %lt3A_267 = arith.cmpi slt, %rem3A_263, %lt3A_266 : i32
      %lt3A_268 = arith.constant 0 : i32
      %lt3A_269 = arith.cmpi slt, %select_n3A_262, %lt3A_268 : i32
      %ne3A_270 = arith.xori %lt3A_267, %lt3A_269 : i1
      %and3A_271 = arith.andi %ne3A_270, %ne3A_265 : i1
      %add3A_272 = arith.addi %rem3A_263, %select_n3A_262 : i32
      %select_n3A_273 = arith.select %and3A_271, %add3A_272, %rem3A_263 : i32
      %mul3A_274 = arith.constant 16 : i32
      %mul3A_275 = arith.muli %select_n3A_273, %mul3A_274 : i32
      %get3A_276 = arith.index_cast %select_n3A_257 : i32 to index
      %get3A_277 = arith.index_cast %mul3A_275 : i32 to index
      %get3A_278 = tpu.vector_load %arg5[%get3A_276, %get3A_277] {strides = array<i32>} : memref<80x128xi32, #tpu.memory_space<vmem>>, vector<16xi32>,
      tpu.vector_store_idx %arg6[%get3A_278], %broadcast_in_dim3A_3 {add = true} : memref<10240xf32, #tpu.memory_space<vmem>>[vector<16xi32>], vector<16xf32>,
      %scan3A_279 = arith.constant 6 : i32
      %scan3A_280 = arith.addi %scan3A_9, %scan3A_279 : i32
      %jit3A_281 = arith.constant 8 : i32
      %div3A_282 = arith.divsi %scan3A_280, %jit3A_281 : i32
      %sign3A_283 = arith.constant 0 : i32
      %sign3A_284 = arith.cmpi sgt, %scan3A_280, %sign3A_283 : i32
      %sign3A_285 = arith.extui %sign3A_284 : i1 to i32
      %sign3A_286 = arith.constant 0 : i32
      %sign3A_287 = arith.cmpi slt, %scan3A_280, %sign3A_286 : i32
      %sign3A_288 = arith.extui %sign3A_287 : i1 to i32
      %sign3A_289 = arith.subi %sign3A_285, %sign3A_288 : i32
      %sign3A_290 = arith.constant 0 : i32
      %sign3A_291 = arith.cmpi sgt, %jit3A_281, %sign3A_290 : i32
      %sign3A_292 = arith.extui %sign3A_291 : i1 to i32
      %sign3A_293 = arith.constant 0 : i32
      %sign3A_294 = arith.cmpi slt, %jit3A_281, %sign3A_293 : i32
      %sign3A_295 = arith.extui %sign3A_294 : i1 to i32
      %sign3A_296 = arith.subi %sign3A_292, %sign3A_295 : i32
      %ne3A_297 = arith.cmpi ne, %sign3A_289, %sign3A_296 : i32
      %rem3A_298 = arith.remsi %scan3A_280, %jit3A_281 : i32
      %ne3A_299 = arith.constant 0 : i32
      %ne3A_300 = arith.cmpi ne, %rem3A_298, %ne3A_299 : i32
      %and3A_301 = arith.andi %ne3A_297, %ne3A_300 : i1
      %sub3A_302 = arith.constant 1 : i32
      %sub3A_303 = arith.subi %div3A_282, %sub3A_302 : i32
      %select_n3A_304 = arith.select %and3A_301, %sub3A_303, %div3A_282 : i32
      %jit3A_305 = arith.constant 8 : i32
      %eq3A_306 = arith.constant 0 : i32
      %eq3A_307 = arith.cmpi eq, %jit3A_305, %eq3A_306 : i32
      %jit3A_308 = arith.constant 1 : i32
      %select_n3A_309 = arith.select %eq3A_307, %jit3A_308, %jit3A_305 : i32
      %rem3A_310 = arith.remsi %scan3A_280, %select_n3A_309 : i32
      %ne3A_311 = arith.constant 0 : i32
      %ne3A_312 = arith.cmpi ne, %rem3A_310, %ne3A_311 : i32
      %lt3A_313 = arith.constant 0 : i32
      %lt3A_314 = arith.cmpi slt, %rem3A_310, %lt3A_313 : i32
      %lt3A_315 = arith.constant 0 : i32
      %lt3A_316 = arith.cmpi slt, %select_n3A_309, %lt3A_315 : i32
      %ne3A_317 = arith.xori %lt3A_314, %lt3A_316 : i1
      %and3A_318 = arith.andi %ne3A_317, %ne3A_312 : i1
      %add3A_319 = arith.addi %rem3A_310, %select_n3A_309 : i32
      %select_n3A_320 = arith.select %and3A_318, %add3A_319, %rem3A_310 : i32
      %mul3A_321 = arith.constant 16 : i32
      %mul3A_322 = arith.muli %select_n3A_320, %mul3A_321 : i32
      %get3A_323 = arith.index_cast %select_n3A_304 : i32 to index
      %get3A_324 = arith.index_cast %mul3A_322 : i32 to index
      %get3A_325 = tpu.vector_load %arg5[%get3A_323, %get3A_324] {strides = array<i32>} : memref<80x128xi32, #tpu.memory_space<vmem>>, vector<16xi32>,
      tpu.vector_store_idx %arg6[%get3A_325], %broadcast_in_dim3A_3 {add = true} : memref<10240xf32, #tpu.memory_space<vmem>>[vector<16xi32>], vector<16xf32>,
      %scan3A_326 = arith.constant 7 : i32
      %scan3A_327 = arith.addi %scan3A_9, %scan3A_326 : i32
      %jit3A_328 = arith.constant 8 : i32
      %div3A_329 = arith.divsi %scan3A_327, %jit3A_328 : i32
      %sign3A_330 = arith.constant 0 : i32
      %sign3A_331 = arith.cmpi sgt, %scan3A_327, %sign3A_330 : i32
      %sign3A_332 = arith.extui %sign3A_331 : i1 to i32
      %sign3A_333 = arith.constant 0 : i32
      %sign3A_334 = arith.cmpi slt, %scan3A_327, %sign3A_333 : i32
      %sign3A_335 = arith.extui %sign3A_334 : i1 to i32
      %sign3A_336 = arith.subi %sign3A_332, %sign3A_335 : i32
      %sign3A_337 = arith.constant 0 : i32
      %sign3A_338 = arith.cmpi sgt, %jit3A_328, %sign3A_337 : i32
      %sign3A_339 = arith.extui %sign3A_338 : i1 to i32
      %sign3A_340 = arith.constant 0 : i32
      %sign3A_341 = arith.cmpi slt, %jit3A_328, %sign3A_340 : i32
      %sign3A_342 = arith.extui %sign3A_341 : i1 to i32
      %sign3A_343 = arith.subi %sign3A_339, %sign3A_342 : i32
      %ne3A_344 = arith.cmpi ne, %sign3A_336, %sign3A_343 : i32
      %rem3A_345 = arith.remsi %scan3A_327, %jit3A_328 : i32
      %ne3A_346 = arith.constant 0 : i32
      %ne3A_347 = arith.cmpi ne, %rem3A_345, %ne3A_346 : i32
      %and3A_348 = arith.andi %ne3A_344, %ne3A_347 : i1
      %sub3A_349 = arith.constant 1 : i32
      %sub3A_350 = arith.subi %div3A_329, %sub3A_349 : i32
      %select_n3A_351 = arith.select %and3A_348, %sub3A_350, %div3A_329 : i32
      %jit3A_352 = arith.constant 8 : i32
      %eq3A_353 = arith.constant 0 : i32
      %eq3A_354 = arith.cmpi eq, %jit3A_352, %eq3A_353 : i32
      %jit3A_355 = arith.constant 1 : i32
      %select_n3A_356 = arith.select %eq3A_354, %jit3A_355, %jit3A_352 : i32
      %rem3A_357 = arith.remsi %scan3A_327, %select_n3A_356 : i32
      %ne3A_358 = arith.constant 0 : i32
      %ne3A_359 = arith.cmpi ne, %rem3A_357, %ne3A_358 : i32
      %lt3A_360 = arith.constant 0 : i32
      %lt3A_361 = arith.cmpi slt, %rem3A_357, %lt3A_360 : i32
      %lt3A_362 = arith.constant 0 : i32
      %lt3A_363 = arith.cmpi slt, %select_n3A_356, %lt3A_362 : i32
      %ne3A_364 = arith.xori %lt3A_361, %lt3A_363 : i1
      %and3A_365 = arith.andi %ne3A_364, %ne3A_359 : i1
      %add3A_366 = arith.addi %rem3A_357, %select_n3A_356 : i32
      %select_n3A_367 = arith.select %and3A_365, %add3A_366, %rem3A_357 : i32
      %mul3A_368 = arith.constant 16 : i32
      %mul3A_369 = arith.muli %select_n3A_367, %mul3A_368 : i32
      %get3A_370 = arith.index_cast %select_n3A_351 : i32 to index
      %get3A_371 = arith.index_cast %mul3A_369 : i32 to index
      %get3A_372 = tpu.vector_load %arg5[%get3A_370, %get3A_371] {strides = array<i32>} : memref<80x128xi32, #tpu.memory_space<vmem>>, vector<16xi32>,
      tpu.vector_store_idx %arg6[%get3A_372], %broadcast_in_dim3A_3 {add = true} : memref<10240xf32, #tpu.memory_space<vmem>>[vector<16xi32>], vector<16xf32>,
    }
    %scan3A_8 = arith.constant 640 : i32
    "tpu.region"() ({
      %run_scoped3A = tpu.sem_alloc : memref<!tpu.dma_semaphore, #tpu.memory_space<semaphore_mem>>
      %dma_start3A = arith.constant 0 : i32
      %dma_start3A_9 = tpu.memref_slice %arg4[%add3A, %dma_start3A] : memref<32x10240xf32, #tpu.memory_space<hbm>> -> memref<1x10240xf32, #tpu.memory_space<hbm>>
      %dma_start3A_10 = tpu.memref_squeeze %dma_start3A_9 : memref<1x10240xf32, #tpu.memory_space<hbm>> -> memref<10240xf32, #tpu.memory_space<hbm>>
      %dma_start3A_11 = arith.constant 0 : i32
      %dma_start3A_12 = tpu.memref_slice %arg4[%add3A, %dma_start3A_11] : memref<32x10240xf32, #tpu.memory_space<hbm>> -> memref<1x10240xf32, #tpu.memory_space<hbm>>
      %dma_start3A_13 = tpu.memref_squeeze %dma_start3A_12 : memref<1x10240xf32, #tpu.memory_space<hbm>> -> memref<10240xf32, #tpu.memory_space<hbm>>
      tpu.enqueue_dma source(%arg6 : memref<10240xf32, #tpu.memory_space<vmem>>) target(%dma_start3A_13 : memref<10240xf32, #tpu.memory_space<hbm>>) target_semaphore(%run_scoped3A : memref<!tpu.dma_semaphore, #tpu.memory_space<semaphore_mem>>)
      %dma_wait3A = arith.constant 0 : i32
      %dma_wait3A_14 = tpu.memref_slice %arg4[%add3A, %dma_wait3A] : memref<32x10240xf32, #tpu.memory_space<hbm>> -> memref<1x10240xf32, #tpu.memory_space<hbm>>
      %dma_wait3A_15 = tpu.memref_squeeze %dma_wait3A_14 : memref<1x10240xf32, #tpu.memory_space<hbm>> -> memref<10240xf32, #tpu.memory_space<hbm>>
      %dma_wait3A_16 = arith.constant 0 : i32
      %dma_wait3A_17 = tpu.memref_slice %arg4[%add3A, %dma_wait3A_16] : memref<32x10240xf32, #tpu.memory_space<hbm>> -> memref<1x10240xf32, #tpu.memory_space<hbm>>
      %dma_wait3A_18 = tpu.memref_squeeze %dma_wait3A_17 : memref<1x10240xf32, #tpu.memory_space<hbm>> -> memref<10240xf32, #tpu.memory_space<hbm>>
      tpu.wait_dma2 semaphore(%run_scoped3A : memref<!tpu.dma_semaphore, #tpu.memory_space<semaphore_mem>>) src(%arg6 : memref<10240xf32, #tpu.memory_space<vmem>>) dst(%dma_wait3A_18 : memref<10240xf32, #tpu.memory_space<hbm>>)
      tpu.yield
    }) : () -> ()
    return
  }
}

#map = affine_map<(d0, d1) -> (0, 0)>
#map1 = affine_map<(d0, d1) -> (0, 0, 0)>
module attributes {stable_mosaic.version = 14 : i64} {
  func.func @_agg_kernel(%arg0: i32, %arg1: i32, %arg2: memref<10240x128xf32, #tpu.memory_space<hbm>>, %arg3: memref<2560x128xi32, #tpu.memory_space<hbm>>, %arg4: memref<2560x128xi32, #tpu.memory_space<hbm>>, %arg5: memref<640x128xf32, #tpu.memory_space<hbm>>, %arg6: memref<2x10240x128xf32, #tpu.memory_space<hbm>>, %arg7: memref<128xi32, #tpu.memory_space<vmem>>, %arg8: memref<128xi32, #tpu.memory_space<vmem>>, %arg9: memref<128xi32, #tpu.memory_space<vmem>>, %arg10: memref<128xi32, #tpu.memory_space<vmem>>, %arg11: memref<128x128xf32, #tpu.memory_space<vmem>>, %arg12: memref<128x128xf32, #tpu.memory_space<vmem>>, %arg13: memref<10240x128xf32, #tpu.memory_space<vmem_shared>>, %arg14: memref<!tpu.dma_semaphore, #tpu.memory_space<semaphore_mem>>, %arg15: memref<!tpu.dma_semaphore, #tpu.memory_space<semaphore_mem>>, %arg16: memref<!tpu.dma_semaphore, #tpu.memory_space<semaphore_mem>>, %arg17: memref<!tpu.dma_semaphore, #tpu.memory_space<semaphore_mem>>, %arg18: memref<!tpu.dma_semaphore, #tpu.memory_space<semaphore_mem>>, %arg19: memref<!tpu.dma_semaphore, #tpu.memory_space<semaphore_mem>>) attributes {dimension_semantics = [#tpu.dimension_semantics<core_parallel>, #tpu.dimension_semantics<subcore_parallel>], iteration_bounds = array<i64: 2, 16>, scalar_prefetch = 0 : i64, scratch_operands = 13 : i64, tpu.core_type = #tpu.core_type<sc_vector_subcore>, window_params = [{transform_indices = #map}, {transform_indices = #map}, {transform_indices = #map}, {transform_indices = #map}, {transform_indices = #map1}]} {
    %eq3A = arith.constant 0 : i32
    %eq3A_0 = arith.cmpi eq, %arg0, %eq3A : i32
    %select_n3A = arith.constant 40 : i32
    %select_n3A_1 = arith.constant 120 : i32
    %select_n3A_2 = arith.select %eq3A_0, %select_n3A_1, %select_n3A : i32
    %mul3A = arith.constant 160 : i32
    %mul3A_3 = arith.muli %arg1, %mul3A : i32
    %eq3A_4 = arith.constant 0 : i32
    %eq3A_5 = arith.cmpi eq, %arg0, %eq3A_4 : i32
    %select_n3A_6 = arith.constant 120 : i32
    %select_n3A_7 = arith.constant 0 : i32
    %select_n3A_8 = arith.select %eq3A_5, %select_n3A_7, %select_n3A_6 : i32
    %add3A = arith.addi %mul3A_3, %select_n3A_8 : i32
    %mul3A_9 = arith.constant 640 : i32
    %mul3A_10 = arith.muli %arg1, %mul3A_9 : i32
    "tpu.region"() ({
      %run_scoped3A = tpu.sem_alloc : memref<!tpu.dma_semaphore, #tpu.memory_space<semaphore_mem>>
      %dma_start3A_78 = arith.constant 0 : i32
      %dma_start3A_79 = tpu.memref_slice %arg13[%mul3A_10, %dma_start3A_78] : memref<10240x128xf32, #tpu.memory_space<vmem_shared>> -> memref<640x128xf32, #tpu.memory_space<vmem_shared>>
      tpu.enqueue_dma source(%arg5 : memref<640x128xf32, #tpu.memory_space<hbm>>) target(%dma_start3A_79 : memref<640x128xf32, #tpu.memory_space<vmem_shared>>) target_semaphore(%run_scoped3A : memref<!tpu.dma_semaphore, #tpu.memory_space<semaphore_mem>>)
      %dma_wait3A_80 = arith.constant 0 : i32
      %dma_wait3A_81 = tpu.memref_slice %arg13[%mul3A_10, %dma_wait3A_80] : memref<10240x128xf32, #tpu.memory_space<vmem_shared>> -> memref<640x128xf32, #tpu.memory_space<vmem_shared>>
      tpu.wait_dma2 semaphore(%run_scoped3A : memref<!tpu.dma_semaphore, #tpu.memory_space<semaphore_mem>>) src(%arg5 : memref<640x128xf32, #tpu.memory_space<hbm>>) dst(%dma_wait3A_81 : memref<640x128xf32, #tpu.memory_space<vmem_shared>>)
      tpu.yield
    }) : () -> ()
    %barrier3A = arith.constant 0 : index
    tpu.barrier barrier_id(%barrier3A)
    %dma_start3A = arith.constant 0 : i32
    %dma_start3A_11 = tpu.memref_slice %arg3[%add3A, %dma_start3A] : memref<2560x128xi32, #tpu.memory_space<hbm>> -> memref<1x128xi32, #tpu.memory_space<hbm>>
    %dma_start3A_12 = tpu.memref_squeeze %dma_start3A_11 : memref<1x128xi32, #tpu.memory_space<hbm>> -> memref<128xi32, #tpu.memory_space<hbm>>
    %dma_start3A_13 = arith.constant 0 : i32
    %dma_start3A_14 = tpu.memref_slice %arg3[%add3A, %dma_start3A_13] : memref<2560x128xi32, #tpu.memory_space<hbm>> -> memref<1x128xi32, #tpu.memory_space<hbm>>
    %dma_start3A_15 = tpu.memref_squeeze %dma_start3A_14 : memref<1x128xi32, #tpu.memory_space<hbm>> -> memref<128xi32, #tpu.memory_space<hbm>>
    tpu.enqueue_dma source(%dma_start3A_15 : memref<128xi32, #tpu.memory_space<hbm>>) target(%arg7 : memref<128xi32, #tpu.memory_space<vmem>>) target_semaphore(%arg16 : memref<!tpu.dma_semaphore, #tpu.memory_space<semaphore_mem>>)
    %add3A_16 = arith.constant 1 : i32
    %add3A_17 = arith.addi %add3A, %add3A_16 : i32
    %dma_start3A_18 = arith.constant 0 : i32
    %dma_start3A_19 = tpu.memref_slice %arg3[%add3A_17, %dma_start3A_18] : memref<2560x128xi32, #tpu.memory_space<hbm>> -> memref<1x128xi32, #tpu.memory_space<hbm>>
    %dma_start3A_20 = tpu.memref_squeeze %dma_start3A_19 : memref<1x128xi32, #tpu.memory_space<hbm>> -> memref<128xi32, #tpu.memory_space<hbm>>
    %dma_start3A_21 = arith.constant 0 : i32
    %dma_start3A_22 = tpu.memref_slice %arg3[%add3A_17, %dma_start3A_21] : memref<2560x128xi32, #tpu.memory_space<hbm>> -> memref<1x128xi32, #tpu.memory_space<hbm>>
    %dma_start3A_23 = tpu.memref_squeeze %dma_start3A_22 : memref<1x128xi32, #tpu.memory_space<hbm>> -> memref<128xi32, #tpu.memory_space<hbm>>
    tpu.enqueue_dma source(%dma_start3A_23 : memref<128xi32, #tpu.memory_space<hbm>>) target(%arg8 : memref<128xi32, #tpu.memory_space<vmem>>) target_semaphore(%arg17 : memref<!tpu.dma_semaphore, #tpu.memory_space<semaphore_mem>>)
    %dma_start3A_24 = arith.constant 0 : i32
    %dma_start3A_25 = tpu.memref_slice %arg4[%add3A, %dma_start3A_24] : memref<2560x128xi32, #tpu.memory_space<hbm>> -> memref<1x128xi32, #tpu.memory_space<hbm>>
    %dma_start3A_26 = tpu.memref_squeeze %dma_start3A_25 : memref<1x128xi32, #tpu.memory_space<hbm>> -> memref<128xi32, #tpu.memory_space<hbm>>
    %dma_start3A_27 = arith.constant 0 : i32
    %dma_start3A_28 = tpu.memref_slice %arg4[%add3A, %dma_start3A_27] : memref<2560x128xi32, #tpu.memory_space<hbm>> -> memref<1x128xi32, #tpu.memory_space<hbm>>
    %dma_start3A_29 = tpu.memref_squeeze %dma_start3A_28 : memref<1x128xi32, #tpu.memory_space<hbm>> -> memref<128xi32, #tpu.memory_space<hbm>>
    tpu.enqueue_dma source(%dma_start3A_29 : memref<128xi32, #tpu.memory_space<hbm>>) target(%arg9 : memref<128xi32, #tpu.memory_space<vmem>>) target_semaphore(%arg18 : memref<!tpu.dma_semaphore, #tpu.memory_space<semaphore_mem>>)
    %add3A_30 = arith.constant 1 : i32
    %add3A_31 = arith.addi %add3A, %add3A_30 : i32
    %dma_start3A_32 = arith.constant 0 : i32
    %dma_start3A_33 = tpu.memref_slice %arg4[%add3A_31, %dma_start3A_32] : memref<2560x128xi32, #tpu.memory_space<hbm>> -> memref<1x128xi32, #tpu.memory_space<hbm>>
    %dma_start3A_34 = tpu.memref_squeeze %dma_start3A_33 : memref<1x128xi32, #tpu.memory_space<hbm>> -> memref<128xi32, #tpu.memory_space<hbm>>
    %dma_start3A_35 = arith.constant 0 : i32
    %dma_start3A_36 = tpu.memref_slice %arg4[%add3A_31, %dma_start3A_35] : memref<2560x128xi32, #tpu.memory_space<hbm>> -> memref<1x128xi32, #tpu.memory_space<hbm>>
    %dma_start3A_37 = tpu.memref_squeeze %dma_start3A_36 : memref<1x128xi32, #tpu.memory_space<hbm>> -> memref<128xi32, #tpu.memory_space<hbm>>
    tpu.enqueue_dma source(%dma_start3A_37 : memref<128xi32, #tpu.memory_space<hbm>>) target(%arg10 : memref<128xi32, #tpu.memory_space<vmem>>) target_semaphore(%arg19 : memref<!tpu.dma_semaphore, #tpu.memory_space<semaphore_mem>>)
    %dma_wait3A = arith.constant 0 : i32
    %dma_wait3A_38 = arith.constant 0 : i32
    %dma_wait3A_39 = tpu.memref_slice %arg3[%dma_wait3A, %dma_wait3A_38] : memref<2560x128xi32, #tpu.memory_space<hbm>> -> memref<1x128xi32, #tpu.memory_space<hbm>>
    %dma_wait3A_40 = tpu.memref_squeeze %dma_wait3A_39 : memref<1x128xi32, #tpu.memory_space<hbm>> -> memref<128xi32, #tpu.memory_space<hbm>>
    %dma_wait3A_41 = arith.constant 0 : i32
    %dma_wait3A_42 = tpu.memref_slice %arg3[%dma_wait3A, %dma_wait3A_41] : memref<2560x128xi32, #tpu.memory_space<hbm>> -> memref<1x128xi32, #tpu.memory_space<hbm>>
    %dma_wait3A_43 = tpu.memref_squeeze %dma_wait3A_42 : memref<1x128xi32, #tpu.memory_space<hbm>> -> memref<128xi32, #tpu.memory_space<hbm>>
    tpu.wait_dma2 semaphore(%arg16 : memref<!tpu.dma_semaphore, #tpu.memory_space<semaphore_mem>>) src(%dma_wait3A_43 : memref<128xi32, #tpu.memory_space<hbm>>) dst(%arg7 : memref<128xi32, #tpu.memory_space<vmem>>)
    %dma_start3A_44 = arith.constant 0 : i32
    %dma_start3A_45 = arith.constant 0 : i32
    %dma_start3A_46 = tpu.memref_slice %arg2[%dma_start3A_44, %dma_start3A_45] : memref<10240x128xf32, #tpu.memory_space<hbm>> -> memref<10240x128xf32, #tpu.memory_space<hbm>>
    tpu.enqueue_indirect_dma source(%dma_start3A_46 : memref<10240x128xf32, #tpu.memory_space<hbm>>) target(%arg11 : memref<128x128xf32, #tpu.memory_space<vmem>>) offsets(%arg7 : memref<128xi32, #tpu.memory_space<vmem>>) semaphore(%arg14 : memref<!tpu.dma_semaphore, #tpu.memory_space<semaphore_mem>>)
    %jit3A = arith.constant 2 : i32
    %div3A = arith.divsi %select_n3A_2, %jit3A : i32
    %sign3A = arith.constant 0 : i32
    %sign3A_47 = arith.cmpi sgt, %select_n3A_2, %sign3A : i32
    %sign3A_48 = arith.extui %sign3A_47 : i1 to i32
    %sign3A_49 = arith.constant 0 : i32
    %sign3A_50 = arith.cmpi slt, %select_n3A_2, %sign3A_49 : i32
    %sign3A_51 = arith.extui %sign3A_50 : i1 to i32
    %sign3A_52 = arith.subi %sign3A_48, %sign3A_51 : i32
    %sign3A_53 = arith.constant 0 : i32
    %sign3A_54 = arith.cmpi sgt, %jit3A, %sign3A_53 : i32
    %sign3A_55 = arith.extui %sign3A_54 : i1 to i32
    %sign3A_56 = arith.constant 0 : i32
    %sign3A_57 = arith.cmpi slt, %jit3A, %sign3A_56 : i32
    %sign3A_58 = arith.extui %sign3A_57 : i1 to i32
    %sign3A_59 = arith.subi %sign3A_55, %sign3A_58 : i32
    %ne3A = arith.cmpi ne, %sign3A_52, %sign3A_59 : i32
    %rem3A = arith.remsi %select_n3A_2, %jit3A : i32
    %ne3A_60 = arith.constant 0 : i32
    %ne3A_61 = arith.cmpi ne, %rem3A, %ne3A_60 : i32
    %and3A = arith.andi %ne3A, %ne3A_61 : i1
    %sub3A = arith.constant 1 : i32
    %sub3A_62 = arith.subi %div3A, %sub3A : i32
    %select_n3A_63 = arith.select %and3A, %sub3A_62, %div3A : i32
    %while3A = arith.constant 0 : i32
    %while3A_64 = arith.constant 0 : i32
    %while3A_65 = arith.subi %select_n3A_63, %while3A_64 : i32
    %while3A_66 = arith.addi %while3A_64, %while3A_65 : i32
    %while3A_67 = arith.constant 1 : i32
    %while3A_68 = arith.divsi %while3A_65, %while3A_67 : i32
    %while3A_69 = arith.muli %while3A_68, %while3A_67 : i32
    %while3A_70 = arith.addi %while3A_64, %while3A_69 : i32
    %while3A_71 = arith.constant 1 : i32
    scf.for %while3A_78 = %while3A_64 to %while3A_70 step %while3A_71  : i32 {
      %mul3A_79 = arith.constant 2 : i32
      %mul3A_80 = arith.muli %mul3A_79, %while3A_78 : i32
      %add3A_81 = arith.addi %add3A, %mul3A_80 : i32
      %mul3A_82 = arith.constant 2 : i32
      %mul3A_83 = arith.muli %mul3A_82, %while3A_78 : i32
      %dma_wait3A_84 = arith.constant 0 : i32
      %dma_wait3A_85 = arith.constant 0 : i32
      %dma_wait3A_86 = tpu.memref_slice %arg2[%dma_wait3A_84, %dma_wait3A_85] : memref<10240x128xf32, #tpu.memory_space<hbm>> -> memref<10240x128xf32, #tpu.memory_space<hbm>>
      tpu.wait_indirect_dma semaphore(%arg14 : memref<!tpu.dma_semaphore, #tpu.memory_space<semaphore_mem>>) src(%dma_wait3A_86 : memref<10240x128xf32, #tpu.memory_space<hbm>>) dst(%arg11 : memref<128x128xf32, #tpu.memory_space<vmem>>)
      %add3A_87 = arith.constant 1 : i32
      %add3A_88 = arith.addi %mul3A_83, %add3A_87 : i32
      %lt3A = arith.cmpi slt, %add3A_88, %select_n3A_2 : i32
      %convert_element_type3A = arith.extui %lt3A : i1 to i32
      %cond3A = arith.constant 0 : i32
      %cond3A_89 = arith.cmpi ne, %convert_element_type3A, %cond3A : i32
      scf.if %cond3A_89 {
        %dma_wait3A_131 = arith.constant 0 : i32
        %dma_wait3A_132 = arith.constant 0 : i32
        %dma_wait3A_133 = tpu.memref_slice %arg3[%dma_wait3A_131, %dma_wait3A_132] : memref<2560x128xi32, #tpu.memory_space<hbm>> -> memref<1x128xi32, #tpu.memory_space<hbm>>
        %dma_wait3A_134 = tpu.memref_squeeze %dma_wait3A_133 : memref<1x128xi32, #tpu.memory_space<hbm>> -> memref<128xi32, #tpu.memory_space<hbm>>
        %dma_wait3A_135 = arith.constant 0 : i32
        %dma_wait3A_136 = tpu.memref_slice %arg3[%dma_wait3A_131, %dma_wait3A_135] : memref<2560x128xi32, #tpu.memory_space<hbm>> -> memref<1x128xi32, #tpu.memory_space<hbm>>
        %dma_wait3A_137 = tpu.memref_squeeze %dma_wait3A_136 : memref<1x128xi32, #tpu.memory_space<hbm>> -> memref<128xi32, #tpu.memory_space<hbm>>
        tpu.wait_dma2 semaphore(%arg17 : memref<!tpu.dma_semaphore, #tpu.memory_space<semaphore_mem>>) src(%dma_wait3A_137 : memref<128xi32, #tpu.memory_space<hbm>>) dst(%arg8 : memref<128xi32, #tpu.memory_space<vmem>>)
        %dma_start3A_138 = arith.constant 0 : i32
        %dma_start3A_139 = arith.constant 0 : i32
        %dma_start3A_140 = tpu.memref_slice %arg2[%dma_start3A_138, %dma_start3A_139] : memref<10240x128xf32, #tpu.memory_space<hbm>> -> memref<10240x128xf32, #tpu.memory_space<hbm>>
        tpu.enqueue_indirect_dma source(%dma_start3A_140 : memref<10240x128xf32, #tpu.memory_space<hbm>>) target(%arg12 : memref<128x128xf32, #tpu.memory_space<vmem>>) offsets(%arg8 : memref<128xi32, #tpu.memory_space<vmem>>) semaphore(%arg15 : memref<!tpu.dma_semaphore, #tpu.memory_space<semaphore_mem>>)
      } else {
      }
      %dma_wait3A_90 = arith.constant 0 : i32
      %dma_wait3A_91 = arith.constant 0 : i32
      %dma_wait3A_92 = tpu.memref_slice %arg4[%dma_wait3A_90, %dma_wait3A_91] : memref<2560x128xi32, #tpu.memory_space<hbm>> -> memref<1x128xi32, #tpu.memory_space<hbm>>
      %dma_wait3A_93 = tpu.memref_squeeze %dma_wait3A_92 : memref<1x128xi32, #tpu.memory_space<hbm>> -> memref<128xi32, #tpu.memory_space<hbm>>
      %dma_wait3A_94 = arith.constant 0 : i32
      %dma_wait3A_95 = tpu.memref_slice %arg4[%dma_wait3A_90, %dma_wait3A_94] : memref<2560x128xi32, #tpu.memory_space<hbm>> -> memref<1x128xi32, #tpu.memory_space<hbm>>
      %dma_wait3A_96 = tpu.memref_squeeze %dma_wait3A_95 : memref<1x128xi32, #tpu.memory_space<hbm>> -> memref<128xi32, #tpu.memory_space<hbm>>
      tpu.wait_dma2 semaphore(%arg18 : memref<!tpu.dma_semaphore, #tpu.memory_space<semaphore_mem>>) src(%dma_wait3A_96 : memref<128xi32, #tpu.memory_space<hbm>>) dst(%arg9 : memref<128xi32, #tpu.memory_space<vmem>>)
      "tpu.region"() ({
        %run_scoped3A = tpu.sem_alloc : memref<!tpu.dma_semaphore, #tpu.memory_space<semaphore_mem>>
        %dma_start3A_131 = arith.constant 0 : i32
        %dma_start3A_132 = arith.constant 0 : i32
        %dma_start3A_133 = tpu.memref_slice %arg13[%dma_start3A_131, %dma_start3A_132] : memref<10240x128xf32, #tpu.memory_space<vmem_shared>> -> memref<10240x128xf32, #tpu.memory_space<vmem_shared>>
        tpu.enqueue_indirect_dma source(%arg11 : memref<128x128xf32, #tpu.memory_space<vmem>>) target(%dma_start3A_133 : memref<10240x128xf32, #tpu.memory_space<vmem_shared>>) offsets(%arg9 : memref<128xi32, #tpu.memory_space<vmem>>) semaphore(%run_scoped3A : memref<!tpu.dma_semaphore, #tpu.memory_space<semaphore_mem>>) {add = true}
        %dma_wait3A_134 = arith.constant 0 : i32
        %dma_wait3A_135 = arith.constant 0 : i32
        %dma_wait3A_136 = tpu.memref_slice %arg13[%dma_wait3A_134, %dma_wait3A_135] : memref<10240x128xf32, #tpu.memory_space<vmem_shared>> -> memref<10240x128xf32, #tpu.memory_space<vmem_shared>>
        tpu.wait_indirect_dma semaphore(%run_scoped3A : memref<!tpu.dma_semaphore, #tpu.memory_space<semaphore_mem>>) src(%arg11 : memref<128x128xf32, #tpu.memory_space<vmem>>) dst(%dma_wait3A_136 : memref<10240x128xf32, #tpu.memory_space<vmem_shared>>)
        tpu.yield
      }) : () -> ()
      %add3A_97 = arith.constant 2 : i32
      %add3A_98 = arith.addi %mul3A_83, %add3A_97 : i32
      %lt3A_99 = arith.cmpi slt, %add3A_98, %select_n3A_2 : i32
      %convert_element_type3A_100 = arith.extui %lt3A_99 : i1 to i32
      %cond3A_101 = arith.constant 0 : i32
      %cond3A_102 = arith.cmpi ne, %convert_element_type3A_100, %cond3A_101 : i32
      scf.if %cond3A_102 {
        %add3A_131 = arith.constant 2 : i32
        %add3A_132 = arith.addi %add3A_81, %add3A_131 : i32
        %dma_start3A_133 = arith.constant 0 : i32
        %dma_start3A_134 = tpu.memref_slice %arg3[%add3A_132, %dma_start3A_133] : memref<2560x128xi32, #tpu.memory_space<hbm>> -> memref<1x128xi32, #tpu.memory_space<hbm>>
        %dma_start3A_135 = tpu.memref_squeeze %dma_start3A_134 : memref<1x128xi32, #tpu.memory_space<hbm>> -> memref<128xi32, #tpu.memory_space<hbm>>
        %dma_start3A_136 = arith.constant 0 : i32
        %dma_start3A_137 = tpu.memref_slice %arg3[%add3A_132, %dma_start3A_136] : memref<2560x128xi32, #tpu.memory_space<hbm>> -> memref<1x128xi32, #tpu.memory_space<hbm>>
        %dma_start3A_138 = tpu.memref_squeeze %dma_start3A_137 : memref<1x128xi32, #tpu.memory_space<hbm>> -> memref<128xi32, #tpu.memory_space<hbm>>
        tpu.enqueue_dma source(%dma_start3A_138 : memref<128xi32, #tpu.memory_space<hbm>>) target(%arg7 : memref<128xi32, #tpu.memory_space<vmem>>) target_semaphore(%arg16 : memref<!tpu.dma_semaphore, #tpu.memory_space<semaphore_mem>>)
        %add3A_139 = arith.constant 2 : i32
        %add3A_140 = arith.addi %add3A_81, %add3A_139 : i32
        %dma_start3A_141 = arith.constant 0 : i32
        %dma_start3A_142 = tpu.memref_slice %arg4[%add3A_140, %dma_start3A_141] : memref<2560x128xi32, #tpu.memory_space<hbm>> -> memref<1x128xi32, #tpu.memory_space<hbm>>
        %dma_start3A_143 = tpu.memref_squeeze %dma_start3A_142 : memref<1x128xi32, #tpu.memory_space<hbm>> -> memref<128xi32, #tpu.memory_space<hbm>>
        %dma_start3A_144 = arith.constant 0 : i32
        %dma_start3A_145 = tpu.memref_slice %arg4[%add3A_140, %dma_start3A_144] : memref<2560x128xi32, #tpu.memory_space<hbm>> -> memref<1x128xi32, #tpu.memory_space<hbm>>
        %dma_start3A_146 = tpu.memref_squeeze %dma_start3A_145 : memref<1x128xi32, #tpu.memory_space<hbm>> -> memref<128xi32, #tpu.memory_space<hbm>>
        tpu.enqueue_dma source(%dma_start3A_146 : memref<128xi32, #tpu.memory_space<hbm>>) target(%arg9 : memref<128xi32, #tpu.memory_space<vmem>>) target_semaphore(%arg18 : memref<!tpu.dma_semaphore, #tpu.memory_space<semaphore_mem>>)
      } else {
      }
      %add3A_103 = arith.constant 1 : i32
      %add3A_104 = arith.addi %add3A_81, %add3A_103 : i32
      %mul3A_105 = arith.constant 2 : i32
      %mul3A_106 = arith.muli %mul3A_105, %while3A_78 : i32
      %add3A_107 = arith.constant 1 : i32
      %add3A_108 = arith.addi %mul3A_106, %add3A_107 : i32
      %dma_wait3A_109 = arith.constant 0 : i32
      %dma_wait3A_110 = arith.constant 0 : i32
      %dma_wait3A_111 = tpu.memref_slice %arg2[%dma_wait3A_109, %dma_wait3A_110] : memref<10240x128xf32, #tpu.memory_space<hbm>> -> memref<10240x128xf32, #tpu.memory_space<hbm>>
      tpu.wait_indirect_dma semaphore(%arg15 : memref<!tpu.dma_semaphore, #tpu.memory_space<semaphore_mem>>) src(%dma_wait3A_111 : memref<10240x128xf32, #tpu.memory_space<hbm>>) dst(%arg12 : memref<128x128xf32, #tpu.memory_space<vmem>>)
      %add3A_112 = arith.constant 1 : i32
      %add3A_113 = arith.addi %add3A_108, %add3A_112 : i32
      %lt3A_114 = arith.cmpi slt, %add3A_113, %select_n3A_2 : i32
      %convert_element_type3A_115 = arith.extui %lt3A_114 : i1 to i32
      %cond3A_116 = arith.constant 0 : i32
      %cond3A_117 = arith.cmpi ne, %convert_element_type3A_115, %cond3A_116 : i32
      scf.if %cond3A_117 {
        %dma_wait3A_131 = arith.constant 0 : i32
        %dma_wait3A_132 = arith.constant 0 : i32
        %dma_wait3A_133 = tpu.memref_slice %arg3[%dma_wait3A_131, %dma_wait3A_132] : memref<2560x128xi32, #tpu.memory_space<hbm>> -> memref<1x128xi32, #tpu.memory_space<hbm>>
        %dma_wait3A_134 = tpu.memref_squeeze %dma_wait3A_133 : memref<1x128xi32, #tpu.memory_space<hbm>> -> memref<128xi32, #tpu.memory_space<hbm>>
        %dma_wait3A_135 = arith.constant 0 : i32
        %dma_wait3A_136 = tpu.memref_slice %arg3[%dma_wait3A_131, %dma_wait3A_135] : memref<2560x128xi32, #tpu.memory_space<hbm>> -> memref<1x128xi32, #tpu.memory_space<hbm>>
        %dma_wait3A_137 = tpu.memref_squeeze %dma_wait3A_136 : memref<1x128xi32, #tpu.memory_space<hbm>> -> memref<128xi32, #tpu.memory_space<hbm>>
        tpu.wait_dma2 semaphore(%arg16 : memref<!tpu.dma_semaphore, #tpu.memory_space<semaphore_mem>>) src(%dma_wait3A_137 : memref<128xi32, #tpu.memory_space<hbm>>) dst(%arg7 : memref<128xi32, #tpu.memory_space<vmem>>)
        %dma_start3A_138 = arith.constant 0 : i32
        %dma_start3A_139 = arith.constant 0 : i32
        %dma_start3A_140 = tpu.memref_slice %arg2[%dma_start3A_138, %dma_start3A_139] : memref<10240x128xf32, #tpu.memory_space<hbm>> -> memref<10240x128xf32, #tpu.memory_space<hbm>>
        tpu.enqueue_indirect_dma source(%dma_start3A_140 : memref<10240x128xf32, #tpu.memory_space<hbm>>) target(%arg11 : memref<128x128xf32, #tpu.memory_space<vmem>>) offsets(%arg7 : memref<128xi32, #tpu.memory_space<vmem>>) semaphore(%arg14 : memref<!tpu.dma_semaphore, #tpu.memory_space<semaphore_mem>>)
      } else {
      }
      %dma_wait3A_118 = arith.constant 0 : i32
      %dma_wait3A_119 = arith.constant 0 : i32
      %dma_wait3A_120 = tpu.memref_slice %arg4[%dma_wait3A_118, %dma_wait3A_119] : memref<2560x128xi32, #tpu.memory_space<hbm>> -> memref<1x128xi32, #tpu.memory_space<hbm>>
      %dma_wait3A_121 = tpu.memref_squeeze %dma_wait3A_120 : memref<1x128xi32, #tpu.memory_space<hbm>> -> memref<128xi32, #tpu.memory_space<hbm>>
      %dma_wait3A_122 = arith.constant 0 : i32
      %dma_wait3A_123 = tpu.memref_slice %arg4[%dma_wait3A_118, %dma_wait3A_122] : memref<2560x128xi32, #tpu.memory_space<hbm>> -> memref<1x128xi32, #tpu.memory_space<hbm>>
      %dma_wait3A_124 = tpu.memref_squeeze %dma_wait3A_123 : memref<1x128xi32, #tpu.memory_space<hbm>> -> memref<128xi32, #tpu.memory_space<hbm>>
      tpu.wait_dma2 semaphore(%arg19 : memref<!tpu.dma_semaphore, #tpu.memory_space<semaphore_mem>>) src(%dma_wait3A_124 : memref<128xi32, #tpu.memory_space<hbm>>) dst(%arg10 : memref<128xi32, #tpu.memory_space<vmem>>)
      "tpu.region"() ({
        %run_scoped3A = tpu.sem_alloc : memref<!tpu.dma_semaphore, #tpu.memory_space<semaphore_mem>>
        %dma_start3A_131 = arith.constant 0 : i32
        %dma_start3A_132 = arith.constant 0 : i32
        %dma_start3A_133 = tpu.memref_slice %arg13[%dma_start3A_131, %dma_start3A_132] : memref<10240x128xf32, #tpu.memory_space<vmem_shared>> -> memref<10240x128xf32, #tpu.memory_space<vmem_shared>>
        tpu.enqueue_indirect_dma source(%arg12 : memref<128x128xf32, #tpu.memory_space<vmem>>) target(%dma_start3A_133 : memref<10240x128xf32, #tpu.memory_space<vmem_shared>>) offsets(%arg10 : memref<128xi32, #tpu.memory_space<vmem>>) semaphore(%run_scoped3A : memref<!tpu.dma_semaphore, #tpu.memory_space<semaphore_mem>>) {add = true}
        %dma_wait3A_134 = arith.constant 0 : i32
        %dma_wait3A_135 = arith.constant 0 : i32
        %dma_wait3A_136 = tpu.memref_slice %arg13[%dma_wait3A_134, %dma_wait3A_135] : memref<10240x128xf32, #tpu.memory_space<vmem_shared>> -> memref<10240x128xf32, #tpu.memory_space<vmem_shared>>
        tpu.wait_indirect_dma semaphore(%run_scoped3A : memref<!tpu.dma_semaphore, #tpu.memory_space<semaphore_mem>>) src(%arg12 : memref<128x128xf32, #tpu.memory_space<vmem>>) dst(%dma_wait3A_136 : memref<10240x128xf32, #tpu.memory_space<vmem_shared>>)
        tpu.yield
      }) : () -> ()
      %add3A_125 = arith.constant 2 : i32
      %add3A_126 = arith.addi %add3A_108, %add3A_125 : i32
      %lt3A_127 = arith.cmpi slt, %add3A_126, %select_n3A_2 : i32
      %convert_element_type3A_128 = arith.extui %lt3A_127 : i1 to i32
      %cond3A_129 = arith.constant 0 : i32
      %cond3A_130 = arith.cmpi ne, %convert_element_type3A_128, %cond3A_129 : i32
      scf.if %cond3A_130 {
        %add3A_131 = arith.constant 2 : i32
        %add3A_132 = arith.addi %add3A_104, %add3A_131 : i32
        %dma_start3A_133 = arith.constant 0 : i32
        %dma_start3A_134 = tpu.memref_slice %arg3[%add3A_132, %dma_start3A_133] : memref<2560x128xi32, #tpu.memory_space<hbm>> -> memref<1x128xi32, #tpu.memory_space<hbm>>
        %dma_start3A_135 = tpu.memref_squeeze %dma_start3A_134 : memref<1x128xi32, #tpu.memory_space<hbm>> -> memref<128xi32, #tpu.memory_space<hbm>>
        %dma_start3A_136 = arith.constant 0 : i32
        %dma_start3A_137 = tpu.memref_slice %arg3[%add3A_132, %dma_start3A_136] : memref<2560x128xi32, #tpu.memory_space<hbm>> -> memref<1x128xi32, #tpu.memory_space<hbm>>
        %dma_start3A_138 = tpu.memref_squeeze %dma_start3A_137 : memref<1x128xi32, #tpu.memory_space<hbm>> -> memref<128xi32, #tpu.memory_space<hbm>>
        tpu.enqueue_dma source(%dma_start3A_138 : memref<128xi32, #tpu.memory_space<hbm>>) target(%arg8 : memref<128xi32, #tpu.memory_space<vmem>>) target_semaphore(%arg17 : memref<!tpu.dma_semaphore, #tpu.memory_space<semaphore_mem>>)
        %add3A_139 = arith.constant 2 : i32
        %add3A_140 = arith.addi %add3A_104, %add3A_139 : i32
        %dma_start3A_141 = arith.constant 0 : i32
        %dma_start3A_142 = tpu.memref_slice %arg4[%add3A_140, %dma_start3A_141] : memref<2560x128xi32, #tpu.memory_space<hbm>> -> memref<1x128xi32, #tpu.memory_space<hbm>>
        %dma_start3A_143 = tpu.memref_squeeze %dma_start3A_142 : memref<1x128xi32, #tpu.memory_space<hbm>> -> memref<128xi32, #tpu.memory_space<hbm>>
        %dma_start3A_144 = arith.constant 0 : i32
        %dma_start3A_145 = tpu.memref_slice %arg4[%add3A_140, %dma_start3A_144] : memref<2560x128xi32, #tpu.memory_space<hbm>> -> memref<1x128xi32, #tpu.memory_space<hbm>>
        %dma_start3A_146 = tpu.memref_squeeze %dma_start3A_145 : memref<1x128xi32, #tpu.memory_space<hbm>> -> memref<128xi32, #tpu.memory_space<hbm>>
        tpu.enqueue_dma source(%dma_start3A_146 : memref<128xi32, #tpu.memory_space<hbm>>) target(%arg10 : memref<128xi32, #tpu.memory_space<vmem>>) target_semaphore(%arg19 : memref<!tpu.dma_semaphore, #tpu.memory_space<semaphore_mem>>)
      } else {
      }
    }
    %while3A_72 = arith.constant 1 : i32
    scf.for %while3A_78 = %while3A_70 to %while3A_66 step %while3A_72  : i32 {
      %mul3A_79 = arith.constant 2 : i32
      %mul3A_80 = arith.muli %mul3A_79, %while3A_78 : i32
      %add3A_81 = arith.addi %add3A, %mul3A_80 : i32
      %mul3A_82 = arith.constant 2 : i32
      %mul3A_83 = arith.muli %mul3A_82, %while3A_78 : i32
      %dma_wait3A_84 = arith.constant 0 : i32
      %dma_wait3A_85 = arith.constant 0 : i32
      %dma_wait3A_86 = tpu.memref_slice %arg2[%dma_wait3A_84, %dma_wait3A_85] : memref<10240x128xf32, #tpu.memory_space<hbm>> -> memref<10240x128xf32, #tpu.memory_space<hbm>>
      tpu.wait_indirect_dma semaphore(%arg14 : memref<!tpu.dma_semaphore, #tpu.memory_space<semaphore_mem>>) src(%dma_wait3A_86 : memref<10240x128xf32, #tpu.memory_space<hbm>>) dst(%arg11 : memref<128x128xf32, #tpu.memory_space<vmem>>)
      %add3A_87 = arith.constant 1 : i32
      %add3A_88 = arith.addi %mul3A_83, %add3A_87 : i32
      %lt3A = arith.cmpi slt, %add3A_88, %select_n3A_2 : i32
      %convert_element_type3A = arith.extui %lt3A : i1 to i32
      %cond3A = arith.constant 0 : i32
      %cond3A_89 = arith.cmpi ne, %convert_element_type3A, %cond3A : i32
      scf.if %cond3A_89 {
        %dma_wait3A_131 = arith.constant 0 : i32
        %dma_wait3A_132 = arith.constant 0 : i32
        %dma_wait3A_133 = tpu.memref_slice %arg3[%dma_wait3A_131, %dma_wait3A_132] : memref<2560x128xi32, #tpu.memory_space<hbm>> -> memref<1x128xi32, #tpu.memory_space<hbm>>
        %dma_wait3A_134 = tpu.memref_squeeze %dma_wait3A_133 : memref<1x128xi32, #tpu.memory_space<hbm>> -> memref<128xi32, #tpu.memory_space<hbm>>
        %dma_wait3A_135 = arith.constant 0 : i32
        %dma_wait3A_136 = tpu.memref_slice %arg3[%dma_wait3A_131, %dma_wait3A_135] : memref<2560x128xi32, #tpu.memory_space<hbm>> -> memref<1x128xi32, #tpu.memory_space<hbm>>
        %dma_wait3A_137 = tpu.memref_squeeze %dma_wait3A_136 : memref<1x128xi32, #tpu.memory_space<hbm>> -> memref<128xi32, #tpu.memory_space<hbm>>
        tpu.wait_dma2 semaphore(%arg17 : memref<!tpu.dma_semaphore, #tpu.memory_space<semaphore_mem>>) src(%dma_wait3A_137 : memref<128xi32, #tpu.memory_space<hbm>>) dst(%arg8 : memref<128xi32, #tpu.memory_space<vmem>>)
        %dma_start3A_138 = arith.constant 0 : i32
        %dma_start3A_139 = arith.constant 0 : i32
        %dma_start3A_140 = tpu.memref_slice %arg2[%dma_start3A_138, %dma_start3A_139] : memref<10240x128xf32, #tpu.memory_space<hbm>> -> memref<10240x128xf32, #tpu.memory_space<hbm>>
        tpu.enqueue_indirect_dma source(%dma_start3A_140 : memref<10240x128xf32, #tpu.memory_space<hbm>>) target(%arg12 : memref<128x128xf32, #tpu.memory_space<vmem>>) offsets(%arg8 : memref<128xi32, #tpu.memory_space<vmem>>) semaphore(%arg15 : memref<!tpu.dma_semaphore, #tpu.memory_space<semaphore_mem>>)
      } else {
      }
      %dma_wait3A_90 = arith.constant 0 : i32
      %dma_wait3A_91 = arith.constant 0 : i32
      %dma_wait3A_92 = tpu.memref_slice %arg4[%dma_wait3A_90, %dma_wait3A_91] : memref<2560x128xi32, #tpu.memory_space<hbm>> -> memref<1x128xi32, #tpu.memory_space<hbm>>
      %dma_wait3A_93 = tpu.memref_squeeze %dma_wait3A_92 : memref<1x128xi32, #tpu.memory_space<hbm>> -> memref<128xi32, #tpu.memory_space<hbm>>
      %dma_wait3A_94 = arith.constant 0 : i32
      %dma_wait3A_95 = tpu.memref_slice %arg4[%dma_wait3A_90, %dma_wait3A_94] : memref<2560x128xi32, #tpu.memory_space<hbm>> -> memref<1x128xi32, #tpu.memory_space<hbm>>
      %dma_wait3A_96 = tpu.memref_squeeze %dma_wait3A_95 : memref<1x128xi32, #tpu.memory_space<hbm>> -> memref<128xi32, #tpu.memory_space<hbm>>
      tpu.wait_dma2 semaphore(%arg18 : memref<!tpu.dma_semaphore, #tpu.memory_space<semaphore_mem>>) src(%dma_wait3A_96 : memref<128xi32, #tpu.memory_space<hbm>>) dst(%arg9 : memref<128xi32, #tpu.memory_space<vmem>>)
      "tpu.region"() ({
        %run_scoped3A = tpu.sem_alloc : memref<!tpu.dma_semaphore, #tpu.memory_space<semaphore_mem>>
        %dma_start3A_131 = arith.constant 0 : i32
        %dma_start3A_132 = arith.constant 0 : i32
        %dma_start3A_133 = tpu.memref_slice %arg13[%dma_start3A_131, %dma_start3A_132] : memref<10240x128xf32, #tpu.memory_space<vmem_shared>> -> memref<10240x128xf32, #tpu.memory_space<vmem_shared>>
        tpu.enqueue_indirect_dma source(%arg11 : memref<128x128xf32, #tpu.memory_space<vmem>>) target(%dma_start3A_133 : memref<10240x128xf32, #tpu.memory_space<vmem_shared>>) offsets(%arg9 : memref<128xi32, #tpu.memory_space<vmem>>) semaphore(%run_scoped3A : memref<!tpu.dma_semaphore, #tpu.memory_space<semaphore_mem>>) {add = true}
        %dma_wait3A_134 = arith.constant 0 : i32
        %dma_wait3A_135 = arith.constant 0 : i32
        %dma_wait3A_136 = tpu.memref_slice %arg13[%dma_wait3A_134, %dma_wait3A_135] : memref<10240x128xf32, #tpu.memory_space<vmem_shared>> -> memref<10240x128xf32, #tpu.memory_space<vmem_shared>>
        tpu.wait_indirect_dma semaphore(%run_scoped3A : memref<!tpu.dma_semaphore, #tpu.memory_space<semaphore_mem>>) src(%arg11 : memref<128x128xf32, #tpu.memory_space<vmem>>) dst(%dma_wait3A_136 : memref<10240x128xf32, #tpu.memory_space<vmem_shared>>)
        tpu.yield
      }) : () -> ()
      %add3A_97 = arith.constant 2 : i32
      %add3A_98 = arith.addi %mul3A_83, %add3A_97 : i32
      %lt3A_99 = arith.cmpi slt, %add3A_98, %select_n3A_2 : i32
      %convert_element_type3A_100 = arith.extui %lt3A_99 : i1 to i32
      %cond3A_101 = arith.constant 0 : i32
      %cond3A_102 = arith.cmpi ne, %convert_element_type3A_100, %cond3A_101 : i32
      scf.if %cond3A_102 {
        %add3A_131 = arith.constant 2 : i32
        %add3A_132 = arith.addi %add3A_81, %add3A_131 : i32
        %dma_start3A_133 = arith.constant 0 : i32
        %dma_start3A_134 = tpu.memref_slice %arg3[%add3A_132, %dma_start3A_133] : memref<2560x128xi32, #tpu.memory_space<hbm>> -> memref<1x128xi32, #tpu.memory_space<hbm>>
        %dma_start3A_135 = tpu.memref_squeeze %dma_start3A_134 : memref<1x128xi32, #tpu.memory_space<hbm>> -> memref<128xi32, #tpu.memory_space<hbm>>
        %dma_start3A_136 = arith.constant 0 : i32
        %dma_start3A_137 = tpu.memref_slice %arg3[%add3A_132, %dma_start3A_136] : memref<2560x128xi32, #tpu.memory_space<hbm>> -> memref<1x128xi32, #tpu.memory_space<hbm>>
        %dma_start3A_138 = tpu.memref_squeeze %dma_start3A_137 : memref<1x128xi32, #tpu.memory_space<hbm>> -> memref<128xi32, #tpu.memory_space<hbm>>
        tpu.enqueue_dma source(%dma_start3A_138 : memref<128xi32, #tpu.memory_space<hbm>>) target(%arg7 : memref<128xi32, #tpu.memory_space<vmem>>) target_semaphore(%arg16 : memref<!tpu.dma_semaphore, #tpu.memory_space<semaphore_mem>>)
        %add3A_139 = arith.constant 2 : i32
        %add3A_140 = arith.addi %add3A_81, %add3A_139 : i32
        %dma_start3A_141 = arith.constant 0 : i32
        %dma_start3A_142 = tpu.memref_slice %arg4[%add3A_140, %dma_start3A_141] : memref<2560x128xi32, #tpu.memory_space<hbm>> -> memref<1x128xi32, #tpu.memory_space<hbm>>
        %dma_start3A_143 = tpu.memref_squeeze %dma_start3A_142 : memref<1x128xi32, #tpu.memory_space<hbm>> -> memref<128xi32, #tpu.memory_space<hbm>>
        %dma_start3A_144 = arith.constant 0 : i32
        %dma_start3A_145 = tpu.memref_slice %arg4[%add3A_140, %dma_start3A_144] : memref<2560x128xi32, #tpu.memory_space<hbm>> -> memref<1x128xi32, #tpu.memory_space<hbm>>
        %dma_start3A_146 = tpu.memref_squeeze %dma_start3A_145 : memref<1x128xi32, #tpu.memory_space<hbm>> -> memref<128xi32, #tpu.memory_space<hbm>>
        tpu.enqueue_dma source(%dma_start3A_146 : memref<128xi32, #tpu.memory_space<hbm>>) target(%arg9 : memref<128xi32, #tpu.memory_space<vmem>>) target_semaphore(%arg18 : memref<!tpu.dma_semaphore, #tpu.memory_space<semaphore_mem>>)
      } else {
      }
      %add3A_103 = arith.constant 1 : i32
      %add3A_104 = arith.addi %add3A_81, %add3A_103 : i32
      %mul3A_105 = arith.constant 2 : i32
      %mul3A_106 = arith.muli %mul3A_105, %while3A_78 : i32
      %add3A_107 = arith.constant 1 : i32
      %add3A_108 = arith.addi %mul3A_106, %add3A_107 : i32
      %dma_wait3A_109 = arith.constant 0 : i32
      %dma_wait3A_110 = arith.constant 0 : i32
      %dma_wait3A_111 = tpu.memref_slice %arg2[%dma_wait3A_109, %dma_wait3A_110] : memref<10240x128xf32, #tpu.memory_space<hbm>> -> memref<10240x128xf32, #tpu.memory_space<hbm>>
      tpu.wait_indirect_dma semaphore(%arg15 : memref<!tpu.dma_semaphore, #tpu.memory_space<semaphore_mem>>) src(%dma_wait3A_111 : memref<10240x128xf32, #tpu.memory_space<hbm>>) dst(%arg12 : memref<128x128xf32, #tpu.memory_space<vmem>>)
      %add3A_112 = arith.constant 1 : i32
      %add3A_113 = arith.addi %add3A_108, %add3A_112 : i32
      %lt3A_114 = arith.cmpi slt, %add3A_113, %select_n3A_2 : i32
      %convert_element_type3A_115 = arith.extui %lt3A_114 : i1 to i32
      %cond3A_116 = arith.constant 0 : i32
      %cond3A_117 = arith.cmpi ne, %convert_element_type3A_115, %cond3A_116 : i32
      scf.if %cond3A_117 {
        %dma_wait3A_131 = arith.constant 0 : i32
        %dma_wait3A_132 = arith.constant 0 : i32
        %dma_wait3A_133 = tpu.memref_slice %arg3[%dma_wait3A_131, %dma_wait3A_132] : memref<2560x128xi32, #tpu.memory_space<hbm>> -> memref<1x128xi32, #tpu.memory_space<hbm>>
        %dma_wait3A_134 = tpu.memref_squeeze %dma_wait3A_133 : memref<1x128xi32, #tpu.memory_space<hbm>> -> memref<128xi32, #tpu.memory_space<hbm>>
        %dma_wait3A_135 = arith.constant 0 : i32
        %dma_wait3A_136 = tpu.memref_slice %arg3[%dma_wait3A_131, %dma_wait3A_135] : memref<2560x128xi32, #tpu.memory_space<hbm>> -> memref<1x128xi32, #tpu.memory_space<hbm>>
        %dma_wait3A_137 = tpu.memref_squeeze %dma_wait3A_136 : memref<1x128xi32, #tpu.memory_space<hbm>> -> memref<128xi32, #tpu.memory_space<hbm>>
        tpu.wait_dma2 semaphore(%arg16 : memref<!tpu.dma_semaphore, #tpu.memory_space<semaphore_mem>>) src(%dma_wait3A_137 : memref<128xi32, #tpu.memory_space<hbm>>) dst(%arg7 : memref<128xi32, #tpu.memory_space<vmem>>)
        %dma_start3A_138 = arith.constant 0 : i32
        %dma_start3A_139 = arith.constant 0 : i32
        %dma_start3A_140 = tpu.memref_slice %arg2[%dma_start3A_138, %dma_start3A_139] : memref<10240x128xf32, #tpu.memory_space<hbm>> -> memref<10240x128xf32, #tpu.memory_space<hbm>>
        tpu.enqueue_indirect_dma source(%dma_start3A_140 : memref<10240x128xf32, #tpu.memory_space<hbm>>) target(%arg11 : memref<128x128xf32, #tpu.memory_space<vmem>>) offsets(%arg7 : memref<128xi32, #tpu.memory_space<vmem>>) semaphore(%arg14 : memref<!tpu.dma_semaphore, #tpu.memory_space<semaphore_mem>>)
      } else {
      }
      %dma_wait3A_118 = arith.constant 0 : i32
      %dma_wait3A_119 = arith.constant 0 : i32
      %dma_wait3A_120 = tpu.memref_slice %arg4[%dma_wait3A_118, %dma_wait3A_119] : memref<2560x128xi32, #tpu.memory_space<hbm>> -> memref<1x128xi32, #tpu.memory_space<hbm>>
      %dma_wait3A_121 = tpu.memref_squeeze %dma_wait3A_120 : memref<1x128xi32, #tpu.memory_space<hbm>> -> memref<128xi32, #tpu.memory_space<hbm>>
      %dma_wait3A_122 = arith.constant 0 : i32
      %dma_wait3A_123 = tpu.memref_slice %arg4[%dma_wait3A_118, %dma_wait3A_122] : memref<2560x128xi32, #tpu.memory_space<hbm>> -> memref<1x128xi32, #tpu.memory_space<hbm>>
      %dma_wait3A_124 = tpu.memref_squeeze %dma_wait3A_123 : memref<1x128xi32, #tpu.memory_space<hbm>> -> memref<128xi32, #tpu.memory_space<hbm>>
      tpu.wait_dma2 semaphore(%arg19 : memref<!tpu.dma_semaphore, #tpu.memory_space<semaphore_mem>>) src(%dma_wait3A_124 : memref<128xi32, #tpu.memory_space<hbm>>) dst(%arg10 : memref<128xi32, #tpu.memory_space<vmem>>)
      "tpu.region"() ({
        %run_scoped3A = tpu.sem_alloc : memref<!tpu.dma_semaphore, #tpu.memory_space<semaphore_mem>>
        %dma_start3A_131 = arith.constant 0 : i32
        %dma_start3A_132 = arith.constant 0 : i32
        %dma_start3A_133 = tpu.memref_slice %arg13[%dma_start3A_131, %dma_start3A_132] : memref<10240x128xf32, #tpu.memory_space<vmem_shared>> -> memref<10240x128xf32, #tpu.memory_space<vmem_shared>>
        tpu.enqueue_indirect_dma source(%arg12 : memref<128x128xf32, #tpu.memory_space<vmem>>) target(%dma_start3A_133 : memref<10240x128xf32, #tpu.memory_space<vmem_shared>>) offsets(%arg10 : memref<128xi32, #tpu.memory_space<vmem>>) semaphore(%run_scoped3A : memref<!tpu.dma_semaphore, #tpu.memory_space<semaphore_mem>>) {add = true}
        %dma_wait3A_134 = arith.constant 0 : i32
        %dma_wait3A_135 = arith.constant 0 : i32
        %dma_wait3A_136 = tpu.memref_slice %arg13[%dma_wait3A_134, %dma_wait3A_135] : memref<10240x128xf32, #tpu.memory_space<vmem_shared>> -> memref<10240x128xf32, #tpu.memory_space<vmem_shared>>
        tpu.wait_indirect_dma semaphore(%run_scoped3A : memref<!tpu.dma_semaphore, #tpu.memory_space<semaphore_mem>>) src(%arg12 : memref<128x128xf32, #tpu.memory_space<vmem>>) dst(%dma_wait3A_136 : memref<10240x128xf32, #tpu.memory_space<vmem_shared>>)
        tpu.yield
      }) : () -> ()
      %add3A_125 = arith.constant 2 : i32
      %add3A_126 = arith.addi %add3A_108, %add3A_125 : i32
      %lt3A_127 = arith.cmpi slt, %add3A_126, %select_n3A_2 : i32
      %convert_element_type3A_128 = arith.extui %lt3A_127 : i1 to i32
      %cond3A_129 = arith.constant 0 : i32
      %cond3A_130 = arith.cmpi ne, %convert_element_type3A_128, %cond3A_129 : i32
      scf.if %cond3A_130 {
        %add3A_131 = arith.constant 2 : i32
        %add3A_132 = arith.addi %add3A_104, %add3A_131 : i32
        %dma_start3A_133 = arith.constant 0 : i32
        %dma_start3A_134 = tpu.memref_slice %arg3[%add3A_132, %dma_start3A_133] : memref<2560x128xi32, #tpu.memory_space<hbm>> -> memref<1x128xi32, #tpu.memory_space<hbm>>
        %dma_start3A_135 = tpu.memref_squeeze %dma_start3A_134 : memref<1x128xi32, #tpu.memory_space<hbm>> -> memref<128xi32, #tpu.memory_space<hbm>>
        %dma_start3A_136 = arith.constant 0 : i32
        %dma_start3A_137 = tpu.memref_slice %arg3[%add3A_132, %dma_start3A_136] : memref<2560x128xi32, #tpu.memory_space<hbm>> -> memref<1x128xi32, #tpu.memory_space<hbm>>
        %dma_start3A_138 = tpu.memref_squeeze %dma_start3A_137 : memref<1x128xi32, #tpu.memory_space<hbm>> -> memref<128xi32, #tpu.memory_space<hbm>>
        tpu.enqueue_dma source(%dma_start3A_138 : memref<128xi32, #tpu.memory_space<hbm>>) target(%arg8 : memref<128xi32, #tpu.memory_space<vmem>>) target_semaphore(%arg17 : memref<!tpu.dma_semaphore, #tpu.memory_space<semaphore_mem>>)
        %add3A_139 = arith.constant 2 : i32
        %add3A_140 = arith.addi %add3A_104, %add3A_139 : i32
        %dma_start3A_141 = arith.constant 0 : i32
        %dma_start3A_142 = tpu.memref_slice %arg4[%add3A_140, %dma_start3A_141] : memref<2560x128xi32, #tpu.memory_space<hbm>> -> memref<1x128xi32, #tpu.memory_space<hbm>>
        %dma_start3A_143 = tpu.memref_squeeze %dma_start3A_142 : memref<1x128xi32, #tpu.memory_space<hbm>> -> memref<128xi32, #tpu.memory_space<hbm>>
        %dma_start3A_144 = arith.constant 0 : i32
        %dma_start3A_145 = tpu.memref_slice %arg4[%add3A_140, %dma_start3A_144] : memref<2560x128xi32, #tpu.memory_space<hbm>> -> memref<1x128xi32, #tpu.memory_space<hbm>>
        %dma_start3A_146 = tpu.memref_squeeze %dma_start3A_145 : memref<1x128xi32, #tpu.memory_space<hbm>> -> memref<128xi32, #tpu.memory_space<hbm>>
        tpu.enqueue_dma source(%dma_start3A_146 : memref<128xi32, #tpu.memory_space<hbm>>) target(%arg10 : memref<128xi32, #tpu.memory_space<vmem>>) target_semaphore(%arg19 : memref<!tpu.dma_semaphore, #tpu.memory_space<semaphore_mem>>)
      } else {
      }
    }
    %barrier3A_73 = arith.constant 0 : index
    tpu.barrier barrier_id(%barrier3A_73)
    %mul3A_74 = arith.constant 640 : i32
    %mul3A_75 = arith.muli %arg1, %mul3A_74 : i32
    %mul3A_76 = arith.constant 640 : i32
    %mul3A_77 = arith.muli %arg1, %mul3A_76 : i32
    "tpu.region"() ({
      %run_scoped3A = tpu.sem_alloc : memref<!tpu.dma_semaphore, #tpu.memory_space<semaphore_mem>>
      %dma_start3A_78 = arith.constant 0 : i32
      %dma_start3A_79 = tpu.memref_slice %arg6[%arg0, %mul3A_77, %dma_start3A_78] : memref<2x10240x128xf32, #tpu.memory_space<hbm>> -> memref<1x640x128xf32, #tpu.memory_space<hbm>>
      %dma_start3A_80 = tpu.memref_squeeze %dma_start3A_79 : memref<1x640x128xf32, #tpu.memory_space<hbm>> -> memref<640x128xf32, #tpu.memory_space<hbm>>
      %dma_start3A_81 = arith.constant 0 : i32
      %dma_start3A_82 = tpu.memref_slice %arg13[%mul3A_75, %dma_start3A_81] : memref<10240x128xf32, #tpu.memory_space<vmem_shared>> -> memref<640x128xf32, #tpu.memory_space<vmem_shared>>
      tpu.enqueue_dma source(%dma_start3A_82 : memref<640x128xf32, #tpu.memory_space<vmem_shared>>) target(%dma_start3A_80 : memref<640x128xf32, #tpu.memory_space<hbm>>) target_semaphore(%run_scoped3A : memref<!tpu.dma_semaphore, #tpu.memory_space<semaphore_mem>>)
      %dma_wait3A_83 = arith.constant 0 : i32
      %dma_wait3A_84 = tpu.memref_slice %arg6[%arg0, %mul3A_77, %dma_wait3A_83] : memref<2x10240x128xf32, #tpu.memory_space<hbm>> -> memref<1x640x128xf32, #tpu.memory_space<hbm>>
      %dma_wait3A_85 = tpu.memref_squeeze %dma_wait3A_84 : memref<1x640x128xf32, #tpu.memory_space<hbm>> -> memref<640x128xf32, #tpu.memory_space<hbm>>
      %dma_wait3A_86 = arith.constant 0 : i32
      %dma_wait3A_87 = tpu.memref_slice %arg13[%mul3A_75, %dma_wait3A_86] : memref<10240x128xf32, #tpu.memory_space<vmem_shared>> -> memref<640x128xf32, #tpu.memory_space<vmem_shared>>
      tpu.wait_dma2 semaphore(%run_scoped3A : memref<!tpu.dma_semaphore, #tpu.memory_space<semaphore_mem>>) src(%dma_wait3A_87 : memref<640x128xf32, #tpu.memory_space<vmem_shared>>) dst(%dma_wait3A_85 : memref<640x128xf32, #tpu.memory_space<hbm>>)
      tpu.yield
    }) : () -> ()
    return
  }
}

module attributes {stable_mosaic.version = 14 : i64} {
  func.func @_tc1a_body(%arg0: i32, %arg1: memref<1024x128xf32, #tpu.memory_space<vmem>>, %arg2: memref<128x128xf32, #tpu.memory_space<vmem>>, %arg3: memref<1024x128xf32, #tpu.memory_space<vmem>>) attributes {dimension_semantics = [#tpu.dimension_semantics<arbitrary>], iteration_bounds = array<i64: 10>, scalar_prefetch = 0 : i64, scratch_operands = 0 : i64, tpu.core_type = #tpu.core_type<tc>, window_params = [{transform_indices = @transform_0, window_bounds = array<i64: 1024, 128>}, {pipeline_mode = #tpu.pipeline_mode<synchronous>, transform_indices = @transform_1, window_bounds = array<i64: 128, 128>}, {transform_indices = @transform_2, window_bounds = array<i64: 1024, 128>}]} {
    %get3A = arith.constant 0 : index
    %get3A_0 = arith.constant 0 : index
    %get3A_1 = vector.load %arg1[%get3A, %get3A_0] : memref<1024x128xf32, #tpu.memory_space<vmem>>, vector<1024x128xf32>
    %get3A_2 = arith.constant 0 : index
    %get3A_3 = arith.constant 0 : index
    %get3A_4 = vector.load %arg2[%get3A_2, %get3A_3] : memref<128x128xf32, #tpu.memory_space<vmem>>, vector<128x128xf32>
    %dot_general3A = arith.constant dense<0.000000e+00> : vector<1024x128xf32>
    %dot_general3A_5 = tpu.matmul %get3A_1, %get3A_4, %dot_general3A {dimension_numbers = #tpu.dot_dimension_numbers<[1], [0], [0], [1], [0, 0, 1, 1], [], []>, transpose_lhs_hint = false} : vector<1024x128xf32>, vector<128x128xf32>, vector<1024x128xf32> -> vector<1024x128xf32>
    %swap3A = arith.constant 0 : index
    %swap3A_6 = arith.constant 0 : index
    %swap3A_7 = vector.load %arg3[%swap3A, %swap3A_6] : memref<1024x128xf32, #tpu.memory_space<vmem>>, vector<1024x128xf32>
    tpu.vector_store %arg3[%swap3A, %swap3A_6], %dot_general3A_5 {strides = array<i32>} : memref<1024x128xf32, #tpu.memory_space<vmem>>, vector<1024x128xf32>,
    return
  }
  func.func @transform_0(%arg0: i32) -> (i32, i32) {
    %c0_i32 = arith.constant 0 : i32
    %c0_i32_0 = arith.constant 0 : i32
    return %arg0, %c0_i32 : i32, i32
  }
  func.func @transform_1(%arg0: i32) -> (i32, i32) {
    %c0_i32 = arith.constant 0 : i32
    %c0_i32_0 = arith.constant 0 : i32
    %c0_i32_1 = arith.constant 0 : i32
    return %c0_i32, %c0_i32_0 : i32, i32
  }
  func.func @transform_2(%arg0: i32) -> (i32, i32) {
    %c0_i32 = arith.constant 0 : i32
    %c0_i32_0 = arith.constant 0 : i32
    return %arg0, %c0_i32 : i32, i32
  }
}

module attributes {stable_mosaic.version = 14 : i64} {
  func.func @_tc1b_body(%arg0: i32, %arg1: memref<32x1024xf32, #tpu.memory_space<vmem>>, %arg2: memref<1024x128xf32, #tpu.memory_space<vmem>>, %arg3: memref<1024x128xf32, #tpu.memory_space<vmem>>, %arg4: memref<1024x1xf32, #tpu.memory_space<vmem>>) attributes {dimension_semantics = [#tpu.dimension_semantics<arbitrary>], iteration_bounds = array<i64: 10>, scalar_prefetch = 0 : i64, scratch_operands = 0 : i64, tpu.core_type = #tpu.core_type<tc>, window_params = [{transform_indices = @transform_0, window_bounds = array<i64: 32, 1024>}, {transform_indices = @transform_1, window_bounds = array<i64: 1024, 128>}, {transform_indices = @transform_2, window_bounds = array<i64: 1024, 128>}, {transform_indices = @transform_3, window_bounds = array<i64: 1024, 1>}]} {
    %get3A = arith.constant 0 : index
    %get3A_0 = arith.constant 0 : index
    %get3A_1 = vector.load %arg1[%get3A, %get3A_0] : memref<32x1024xf32, #tpu.memory_space<vmem>>, vector<32x1024xf32>
    %reduce_sum3A = arith.constant dense<0.000000e+00> : vector<1024xf32>
    %reduce_sum3A_2 = vector.multi_reduction <add>, %get3A_1, %reduce_sum3A [0] : vector<32x1024xf32> to vector<1024xf32>
    %add3A = arith.constant 1.000000e+00 : f32
    %add3A_3 = vector.broadcast %add3A : f32 to vector<1024xf32>
    %add3A_4 = arith.addf %reduce_sum3A_2, %add3A_3 : vector<1024xf32>
    %rsqrt3A = math.rsqrt %add3A_4 : vector<1024xf32>
    %get3A_5 = arith.constant 0 : index
    %get3A_6 = arith.constant 0 : index
    %get3A_7 = vector.load %arg2[%get3A_5, %get3A_6] : memref<1024x128xf32, #tpu.memory_space<vmem>>, vector<1024x128xf32>
    %broadcast_in_dim3A = vector.shape_cast %rsqrt3A : vector<1024xf32> to vector<1024x1xf32>
    %mul3A = vector.broadcast %broadcast_in_dim3A : vector<1024x1xf32> to vector<1024x128xf32>
    %mul3A_8 = arith.mulf %get3A_7, %mul3A : vector<1024x128xf32>
    %swap3A = arith.constant 0 : index
    %swap3A_9 = arith.constant 0 : index
    %swap3A_10 = vector.load %arg3[%swap3A, %swap3A_9] : memref<1024x128xf32, #tpu.memory_space<vmem>>, vector<1024x128xf32>
    tpu.vector_store %arg3[%swap3A, %swap3A_9], %mul3A_8 {strides = array<i32>} : memref<1024x128xf32, #tpu.memory_space<vmem>>, vector<1024x128xf32>,
    %broadcast_in_dim3A_11 = vector.shape_cast %rsqrt3A : vector<1024xf32> to vector<1024x1xf32>
    %swap3A_12 = arith.constant 0 : index
    %swap3A_13 = arith.constant 0 : index
    %swap3A_14 = vector.load %arg4[%swap3A_12, %swap3A_13] : memref<1024x1xf32, #tpu.memory_space<vmem>>, vector<1024x1xf32>
    tpu.vector_store %arg4[%swap3A_12, %swap3A_13], %broadcast_in_dim3A_11 {strides = array<i32>} : memref<1024x1xf32, #tpu.memory_space<vmem>>, vector<1024x1xf32>,
    return
  }
  func.func @transform_0(%arg0: i32) -> (i32, i32) {
    %c0_i32 = arith.constant 0 : i32
    %c0_i32_0 = arith.constant 0 : i32
    return %c0_i32, %arg0 : i32, i32
  }
  func.func @transform_1(%arg0: i32) -> (i32, i32) {
    %c0_i32 = arith.constant 0 : i32
    %c0_i32_0 = arith.constant 0 : i32
    return %arg0, %c0_i32 : i32, i32
  }
  func.func @transform_2(%arg0: i32) -> (i32, i32) {
    %c0_i32 = arith.constant 0 : i32
    %c0_i32_0 = arith.constant 0 : i32
    return %arg0, %c0_i32 : i32, i32
  }
  func.func @transform_3(%arg0: i32) -> (i32, i32) {
    %c0_i32 = arith.constant 0 : i32
    %c0_i32_0 = arith.constant 0 : i32
    return %arg0, %c0_i32 : i32, i32
  }
}

module attributes {stable_mosaic.version = 14 : i64} {
  func.func @_tc2_body(%arg0: i32, %arg1: memref<2x1024x128xf32, #tpu.memory_space<vmem>>, %arg2: memref<1024x128xf32, #tpu.memory_space<vmem>>, %arg3: memref<1024x1xf32, #tpu.memory_space<vmem>>, %arg4: memref<128x128xf32, #tpu.memory_space<vmem>>, %arg5: memref<1x128xf32, #tpu.memory_space<vmem>>, %arg6: memref<1024x128xf32, #tpu.memory_space<vmem>>) attributes {dimension_semantics = [#tpu.dimension_semantics<arbitrary>], iteration_bounds = array<i64: 10>, scalar_prefetch = 0 : i64, scratch_operands = 0 : i64, tpu.core_type = #tpu.core_type<tc>, window_params = [{transform_indices = @transform_0, window_bounds = array<i64: 2, 1024, 128>}, {transform_indices = @transform_1, window_bounds = array<i64: 1024, 128>}, {transform_indices = @transform_2, window_bounds = array<i64: 1024, 1>}, {pipeline_mode = #tpu.pipeline_mode<synchronous>, transform_indices = @transform_3, window_bounds = array<i64: 128, 128>}, {pipeline_mode = #tpu.pipeline_mode<synchronous>, transform_indices = @transform_4, window_bounds = array<i64: 1, 128>}, {transform_indices = @transform_5, window_bounds = array<i64: 1024, 128>}]} {
    %get3A = arith.constant 0 : index
    %get3A_0 = arith.constant 0 : index
    %get3A_1 = vector.load %arg3[%get3A, %get3A_0] : memref<1024x1xf32, #tpu.memory_space<vmem>>, vector<1024x1xf32>
    %get3A_2 = arith.constant 0 : index
    %get3A_3 = arith.constant 0 : index
    %get3A_4 = arith.constant 0 : index
    %get3A_5 = vector.load %arg1[%get3A_2, %get3A_3, %get3A_4] : memref<2x1024x128xf32, #tpu.memory_space<vmem>>, vector<1x1024x128xf32>
    %get3A_6 = vector.shape_cast %get3A_5 : vector<1x1024x128xf32> to vector<1024x128xf32>
    %get3A_7 = arith.constant 1 : index
    %get3A_8 = arith.constant 0 : index
    %get3A_9 = arith.constant 0 : index
    %get3A_10 = vector.load %arg1[%get3A_7, %get3A_8, %get3A_9] : memref<2x1024x128xf32, #tpu.memory_space<vmem>>, vector<1x1024x128xf32>
    %get3A_11 = vector.shape_cast %get3A_10 : vector<1x1024x128xf32> to vector<1024x128xf32>
    %add3A = arith.addf %get3A_6, %get3A_11 : vector<1024x128xf32>
    %get3A_12 = arith.constant 0 : index
    %get3A_13 = arith.constant 0 : index
    %get3A_14 = vector.load %arg2[%get3A_12, %get3A_13] : memref<1024x128xf32, #tpu.memory_space<vmem>>, vector<1024x128xf32>
    %add3A_15 = arith.addf %add3A, %get3A_14 : vector<1024x128xf32>
    %mul3A = vector.broadcast %get3A_1 : vector<1024x1xf32> to vector<1024x128xf32>
    %mul3A_16 = arith.mulf %mul3A, %add3A_15 : vector<1024x128xf32>
    %get3A_17 = arith.constant 0 : index
    %get3A_18 = arith.constant 0 : index
    %get3A_19 = vector.load %arg5[%get3A_17, %get3A_18] : memref<1x128xf32, #tpu.memory_space<vmem>>, vector<1x128xf32>
    %add3A_20 = vector.broadcast %get3A_19 : vector<1x128xf32> to vector<1024x128xf32>
    %add3A_21 = arith.addf %mul3A_16, %add3A_20 : vector<1024x128xf32>
    %max3A = arith.constant 0.000000e+00 : f32
    %max3A_22 = vector.broadcast %max3A : f32 to vector<1024x128xf32>
    %max3A_23 = arith.maximumf %add3A_21, %max3A_22 : vector<1024x128xf32>
    %iota3A = tpu.iota {dimensions = array<i32: 0>} : vector<1024x1xi32>
    %mul3A_24 = arith.constant 1024 : i32
    %mul3A_25 = arith.muli %arg0, %mul3A_24 : i32
    %add3A_26 = vector.broadcast %mul3A_25 : i32 to vector<1024x1xi32>
    %add3A_27 = arith.addi %iota3A, %add3A_26 : vector<1024x1xi32>
    %lt3A = arith.constant 10000 : i32
    %lt3A_28 = vector.broadcast %lt3A : i32 to vector<1024x1xi32>
    %lt3A_29 = arith.cmpi slt, %add3A_27, %lt3A_28 : vector<1024x1xi32>
    %jit3A = arith.constant 0.000000e+00 : f32
    %broadcast_in_dim3A = vector.shape_cast %lt3A_29 : vector<1024x1xi1> to vector<1024x1xi1>
    %broadcast_in_dim3A_30 = vector.broadcast %broadcast_in_dim3A : vector<1024x1xi1> to vector<1024x128xi1>
    %broadcast_in_dim3A_31 = vector.broadcast %jit3A : f32 to vector<1024x128xf32>
    %select_n3A = arith.select %broadcast_in_dim3A_30, %max3A_23, %broadcast_in_dim3A_31 : vector<1024x128xi1>, vector<1024x128xf32>
    %get3A_32 = arith.constant 0 : index
    %get3A_33 = arith.constant 0 : index
    %get3A_34 = vector.load %arg4[%get3A_32, %get3A_33] : memref<128x128xf32, #tpu.memory_space<vmem>>, vector<128x128xf32>
    %dot_general3A = arith.constant dense<0.000000e+00> : vector<1024x128xf32>
    %dot_general3A_35 = tpu.matmul %select_n3A, %get3A_34, %dot_general3A {dimension_numbers = #tpu.dot_dimension_numbers<[1], [0], [0], [1], [0, 0, 1, 1], [], []>, transpose_lhs_hint = false} : vector<1024x128xf32>, vector<128x128xf32>, vector<1024x128xf32> -> vector<1024x128xf32>
    %mul3A_36 = vector.broadcast %get3A_1 : vector<1024x1xf32> to vector<1024x128xf32>
    %mul3A_37 = arith.mulf %dot_general3A_35, %mul3A_36 : vector<1024x128xf32>
    %swap3A = arith.constant 0 : index
    %swap3A_38 = arith.constant 0 : index
    %swap3A_39 = vector.load %arg6[%swap3A, %swap3A_38] : memref<1024x128xf32, #tpu.memory_space<vmem>>, vector<1024x128xf32>
    tpu.vector_store %arg6[%swap3A, %swap3A_38], %mul3A_37 {strides = array<i32>} : memref<1024x128xf32, #tpu.memory_space<vmem>>, vector<1024x128xf32>,
    return
  }
  func.func @transform_0(%arg0: i32) -> (i32, i32, i32) {
    %c0_i32 = arith.constant 0 : i32
    %c0_i32_0 = arith.constant 0 : i32
    %c0_i32_1 = arith.constant 0 : i32
    return %c0_i32, %arg0, %c0_i32_0 : i32, i32, i32
  }
  func.func @transform_1(%arg0: i32) -> (i32, i32) {
    %c0_i32 = arith.constant 0 : i32
    %c0_i32_0 = arith.constant 0 : i32
    return %arg0, %c0_i32 : i32, i32
  }
  func.func @transform_2(%arg0: i32) -> (i32, i32) {
    %c0_i32 = arith.constant 0 : i32
    %c0_i32_0 = arith.constant 0 : i32
    return %arg0, %c0_i32 : i32, i32
  }
  func.func @transform_3(%arg0: i32) -> (i32, i32) {
    %c0_i32 = arith.constant 0 : i32
    %c0_i32_0 = arith.constant 0 : i32
    %c0_i32_1 = arith.constant 0 : i32
    return %c0_i32, %c0_i32_0 : i32, i32
  }
  func.func @transform_4(%arg0: i32) -> (i32, i32) {
    %c0_i32 = arith.constant 0 : i32
    %c0_i32_0 = arith.constant 0 : i32
    %c0_i32_1 = arith.constant 0 : i32
    return %c0_i32, %c0_i32_0 : i32, i32
  }
  func.func @transform_5(%arg0: i32) -> (i32, i32) {
    %c0_i32 = arith.constant 0 : i32
    %c0_i32_0 = arith.constant 0 : i32
    return %arg0, %c0_i32 : i32, i32
  }
}

module attributes {stable_mosaic.version = 14 : i64} {
  func.func @_tc3_body(%arg0: i32, %arg1: memref<2x1024x128xf32, #tpu.memory_space<vmem>>, %arg2: memref<1024x128xf32, #tpu.memory_space<vmem>>, %arg3: memref<1024x1xf32, #tpu.memory_space<vmem>>, %arg4: memref<1x128xf32, #tpu.memory_space<vmem>>, %arg5: memref<1024x128xf32, #tpu.memory_space<vmem>>) attributes {dimension_semantics = [#tpu.dimension_semantics<arbitrary>], iteration_bounds = array<i64: 10>, scalar_prefetch = 0 : i64, scratch_operands = 0 : i64, tpu.core_type = #tpu.core_type<tc>, window_params = [{transform_indices = @transform_0, window_bounds = array<i64: 2, 1024, 128>}, {transform_indices = @transform_1, window_bounds = array<i64: 1024, 128>}, {transform_indices = @transform_2, window_bounds = array<i64: 1024, 1>}, {pipeline_mode = #tpu.pipeline_mode<synchronous>, transform_indices = @transform_3, window_bounds = array<i64: 1, 128>}, {transform_indices = @transform_4, window_bounds = array<i64: 1024, 128>}]} {
    %get3A = arith.constant 0 : index
    %get3A_0 = arith.constant 0 : index
    %get3A_1 = vector.load %arg3[%get3A, %get3A_0] : memref<1024x1xf32, #tpu.memory_space<vmem>>, vector<1024x1xf32>
    %get3A_2 = arith.constant 0 : index
    %get3A_3 = arith.constant 0 : index
    %get3A_4 = arith.constant 0 : index
    %get3A_5 = vector.load %arg1[%get3A_2, %get3A_3, %get3A_4] : memref<2x1024x128xf32, #tpu.memory_space<vmem>>, vector<1x1024x128xf32>
    %get3A_6 = vector.shape_cast %get3A_5 : vector<1x1024x128xf32> to vector<1024x128xf32>
    %get3A_7 = arith.constant 1 : index
    %get3A_8 = arith.constant 0 : index
    %get3A_9 = arith.constant 0 : index
    %get3A_10 = vector.load %arg1[%get3A_7, %get3A_8, %get3A_9] : memref<2x1024x128xf32, #tpu.memory_space<vmem>>, vector<1x1024x128xf32>
    %get3A_11 = vector.shape_cast %get3A_10 : vector<1x1024x128xf32> to vector<1024x128xf32>
    %add3A = arith.addf %get3A_6, %get3A_11 : vector<1024x128xf32>
    %get3A_12 = arith.constant 0 : index
    %get3A_13 = arith.constant 0 : index
    %get3A_14 = vector.load %arg2[%get3A_12, %get3A_13] : memref<1024x128xf32, #tpu.memory_space<vmem>>, vector<1024x128xf32>
    %add3A_15 = arith.addf %add3A, %get3A_14 : vector<1024x128xf32>
    %mul3A = vector.broadcast %get3A_1 : vector<1024x1xf32> to vector<1024x128xf32>
    %mul3A_16 = arith.mulf %mul3A, %add3A_15 : vector<1024x128xf32>
    %get3A_17 = arith.constant 0 : index
    %get3A_18 = arith.constant 0 : index
    %get3A_19 = vector.load %arg4[%get3A_17, %get3A_18] : memref<1x128xf32, #tpu.memory_space<vmem>>, vector<1x128xf32>
    %add3A_20 = vector.broadcast %get3A_19 : vector<1x128xf32> to vector<1024x128xf32>
    %add3A_21 = arith.addf %mul3A_16, %add3A_20 : vector<1024x128xf32>
    %swap3A = arith.constant 0 : index
    %swap3A_22 = arith.constant 0 : index
    %swap3A_23 = vector.load %arg5[%swap3A, %swap3A_22] : memref<1024x128xf32, #tpu.memory_space<vmem>>, vector<1024x128xf32>
    tpu.vector_store %arg5[%swap3A, %swap3A_22], %add3A_21 {strides = array<i32>} : memref<1024x128xf32, #tpu.memory_space<vmem>>, vector<1024x128xf32>,
    return
  }
  func.func @transform_0(%arg0: i32) -> (i32, i32, i32) {
    %c0_i32 = arith.constant 0 : i32
    %c0_i32_0 = arith.constant 0 : i32
    %c0_i32_1 = arith.constant 0 : i32
    return %c0_i32, %arg0, %c0_i32_0 : i32, i32, i32
  }
  func.func @transform_1(%arg0: i32) -> (i32, i32) {
    %c0_i32 = arith.constant 0 : i32
    %c0_i32_0 = arith.constant 0 : i32
    return %arg0, %c0_i32 : i32, i32
  }
  func.func @transform_2(%arg0: i32) -> (i32, i32) {
    %c0_i32 = arith.constant 0 : i32
    %c0_i32_0 = arith.constant 0 : i32
    return %arg0, %c0_i32 : i32, i32
  }
  func.func @transform_3(%arg0: i32) -> (i32, i32) {
    %c0_i32 = arith.constant 0 : i32
    %c0_i32_0 = arith.constant 0 : i32
    %c0_i32_1 = arith.constant 0 : i32
    return %c0_i32, %c0_i32_0 : i32, i32
  }
  func.func @transform_4(%arg0: i32) -> (i32, i32) {
    %c0_i32 = arith.constant 0 : i32
    %c0_i32_0 = arith.constant 0 : i32
    return %arg0, %c0_i32 : i32, i32
  }
}

</mosaic_0001>

<sc_bundles>
// kernel: kernel.12.cloned.1.call-start
scs
__scs_entry_jumppad:
0x0: {  	(pc) =	sbr.rel $0x88, $3  }
0x1: {  	(tag) =	ssettag $0x0;
	lr =	simm.s32 $0x1  }
0x2: {  	[smem:$0x3F9B] =	sst lr;
	_ =	strace $0xD0000000  }
0x3: {  	_ = 	snop  }
0x4: {  	_ = 	snop  }
0x5: {  	_ = 	snop  }
0x6: {  	_ = 	snop  }
0x7: {  	_ = 	snop  }
__scs_overlays_trampoline_lowered:
0x8: {  	[smem:$0x3FAA] =	sst s0  }
0x9: {  	[smem:$0x3FAB] =	sst s1  }
0xa: {  	[smem:$0x3FAC] =	sst s2  }
0xb: {  	[smem:$0x3FAD] =	sst s3  }
0xc: {  	[smem:$0x3FAE] =	sst s4  }
0xd: {  	[smem:$0x3FAF] =	sst s5  }
0xe: {  	[smem:$0x3FB0] =	sst s6  }
0xf: {  	[smem:$0x3FB1] =	sst s7  }
0x10: {  	[smem:$0x3FB2] =	sst s8  }
0x11: {  	[smem:$0x3FB3] =	sst s9;
	s0 =	simm.s32 @!p0 $0x0  }
0x12: {  	s1 =	sld [smem:$0x3F99];
	s0 =	simm.s32 @p0 $0x1  }
0x13: {  	[smem:$0x3FB4] =	sst s0;
	s0 =	simm.s32 @!p1 $0x0  }
0x14: {  	s2 =	sld [smem:$0x3F98];
	s0 =	simm.s32 @p1 $0x1  }
0x15: {  	[smem:$0x3FB5] =	sst s0;
	s0 =	simm.s32 @!p2 $0x0  }
0x16: {  	s3 =	sld [smem:$0x3FDB];
	s0 =	simm.s32 @p2 $0x1  }
0x17: {  	s4 =	simm.s32 $0x1BF5;
	[smem:$0x3FB7] =	sst s0  }
0x18: {  	s0 =	sld [smem:$0x3F9A];
	_ =	swait.ge [sflag:s4], $0x0  }
0x19: {  	s7 =	sld [smem:$0x3F9B]  }
0x1a: {  	s8 =	sadd.s32 $0xFFFFE003, lr  }
0x1b: {  	s9 =	sadd.s32 $0xFFFFFEF7, lr;
	s5 =	simm.s32 $0xFFFFFFFF;
	p2 =	slt.u32 s8, $0xFFFFF086  }
0x1c: {  	p1 =	slt.u32 s9, $0xF7A;
	s5 =	simm.s32 @!p2 $0x0  }
0x1d: {  	s5 =	simm.s32 @p1 $0x1;
	p0 =	seq.s32 s7, s2  }
0x1e: {  	s7 =	smul.u32 @!p0 $0xF7A, s2;
	p2 =	seq.s32 @!p0 s5, $0x0  }
0x1f: {  	s9 =	smul.u32 $0xF7A, s1;
	s8 =	simm.s32 @!p0 $0x1BF5;
	p2 =	por !p2, p0  }
0x20: {  	[sflag:s8] =	ssyncset.s32 @!p0 $0xFFFFF086;
	s6 =	sadd.s32 @!p0 s3, s7;
	s7 =	simm.s32 @!p0 $0x108  }
0x21: {  	s3 =	sadd.s32 s3, s9;
	s6 =	sadd.s32 @!p0 $0x88, s6;
	s7 =	simm.s32 @p2 $0x1082  }
0x22: {  	[simem:s7], [sflag:s8] =	dma.local @!p0 [hbm:s6], $0xF7A  }
0x23: {  	s9 =	sor.u32 $0xD0000000, s2;
	s6 =	simm.s32 $0x108;
	_ =	swait.ge @!p0 [sflag:s8], $0x0  }
0x24: {  	s3 =	sadd.s32 $0x88, s3;
	s6 =	simm.s32 @!p1 $0x1082;
	[sflag:s4] =	ssyncset.s32 $0xFFFFF086  }
0x25: {  	[simem:s6], [sflag:s4] =	dma.local [hbm:s3], $0xF7A  }
0x26: {  	[smem:$0x3F9B] =	sst s1;
	(tag) =	ssettag s2;
	_ =	strace s9  }
0x27: {  	s1 =	sld [smem:$0x3FAB]  }
0x28: {  	s2 =	sld [smem:$0x3FAC]  }
0x29: {  	s4 =	sld [smem:$0x3FAE]  }
0x2a: {  	p0 =	seq.s32 s5, $0x0;
	s5 =	sld [smem:$0x3FAF]  }
0x2b: {  	s6 =	sld [smem:$0x3FB0]  }
0x2c: {  	s7 =	sld [smem:$0x3FB1]  }
0x2d: {  	s3 =	simm.s32 $0x108;
	s8 =	sld [smem:$0x3FB2]  }
0x2e: {  	s3 =	simm.s32 @!p0 $0x1082;
	s9 =	sld [smem:$0x3FB3]  }
0x2f: {  	lr =	sadd.s32 s0, s3;
	s0 =	sld [smem:$0x3FAA]  }
0x30: {  	s3 =	sld [smem:$0x3FAD]  }
0x31: {  	[smem:$0x3FB6] =	sst s10  }
0x32: {  	s10 =	sld [smem:$0x3FB4];
	_ =	sdelay $0x3  }
0x33: {  	p0 =	seq.s32 s10, $0x1;
	s10 =	sld [smem:$0x3FB6];
	_ =	sdelay $0x3  }
0x34: {  	[smem:$0x3FB6] =	sst s10  }
0x35: {  	s10 =	sld [smem:$0x3FB5];
	_ =	sdelay $0x3  }
0x36: {  	p1 =	seq.s32 s10, $0x1;
	s10 =	sld [smem:$0x3FB6];
	_ =	sdelay $0x3  }
0x37: {  	[smem:$0x3FB6] =	sst s10  }
0x38: {  	s10 =	sld [smem:$0x3FB7]  }
0x39: {  	_ = 	snop;
	(pc) =	sbr.ind lr, $3  }
0x3a: {  	_ = 	snop  }
0x3b: {  	_ = 	snop  }
0x3c: {  	p2 =	seq.s32 s10, $0x1;
	s10 =	sld [smem:$0x3FB6]  }
0x3d: {  	_ =	shalt  }
0x3e: {  	_ =	shalt  }
0x3f: {  	_ =	shalt  }
0x40: {  	_ =	shalt  }
0x41: {  	_ =	shalt  }
0x42: {  	_ =	shalt  }
0x43: {  	_ =	shalt  }
0x44: {  	_ =	shalt  }
0x45: {  	_ =	shalt  }
0x46: {  	_ =	shalt  }
0x47: {  	_ =	shalt  }
0x48: {  	_ =	shalt  }
0x49: {  	_ =	shalt  }
0x4a: {  	_ =	shalt  }
0x4b: {  	_ =	shalt  }
0x4c: {  	_ =	shalt  }
0x4d: {  	_ =	shalt  }
0x4e: {  	_ =	shalt  }
0x4f: {  	_ =	shalt  }
0x50: {  	_ =	shalt  }
0x51: {  	_ =	shalt  }
0x52: {  	_ =	shalt  }
0x53: {  	_ =	shalt  }
0x54: {  	_ =	shalt  }
0x55: {  	_ =	shalt  }
0x56: {  	_ =	shalt  }
0x57: {  	_ =	shalt  }
0x58: {  	_ =	shalt  }
0x59: {  	_ =	shalt  }
0x5a: {  	_ =	shalt  }
0x5b: {  	_ =	shalt  }
0x5c: {  	_ =	shalt  }
0x5d: {  	_ =	shalt  }
0x5e: {  	_ =	shalt  }
0x5f: {  	_ =	shalt  }
0x60: {  	_ =	shalt  }
0x61: {  	_ =	shalt  }
0x62: {  	_ =	shalt  }
0x63: {  	_ =	shalt  }
0x64: {  	_ =	shalt  }
0x65: {  	_ =	shalt  }
0x66: {  	_ =	shalt  }
0x67: {  	_ =	shalt  }
0x68: {  	_ =	shalt  }
0x69: {  	_ =	shalt  }
0x6a: {  	_ =	shalt  }
0x6b: {  	_ =	shalt  }
0x6c: {  	_ =	shalt  }
0x6d: {  	_ =	shalt  }
0x6e: {  	_ =	shalt  }
0x6f: {  	_ =	shalt  }
0x70: {  	_ =	shalt  }
0x71: {  	_ =	shalt  }
0x72: {  	_ =	shalt  }
0x73: {  	_ =	shalt  }
0x74: {  	_ =	shalt  }
0x75: {  	_ =	shalt  }
0x76: {  	_ =	shalt  }
0x77: {  	_ =	shalt  }
0x78: {  	_ =	shalt  }
0x79: {  	_ =	shalt  }
0x7a: {  	_ =	shalt  }
0x7b: {  	_ =	shalt  }
0x7c: {  	_ =	shalt  }
0x7d: {  	_ =	shalt  }
0x7e: {  	_ =	shalt  }
0x7f: {  	_ =	shalt  }
0x80: {  	_ =	shalt  }
0x81: {  	_ =	shalt  }
0x82: {  	_ =	shalt  }
0x83: {  	_ =	shalt  }
0x84: {  	_ =	shalt  }
0x85: {  	_ =	shalt  }
0x86: {  	_ =	shalt  }
0x87: {  	_ =	shalt  }
.Lfunc_end0:
.L_simem_size_0:
called_computation.1_lowered:
.L_overlay_start_0:
0x88: {  	s2 =	sld [smem:$0x3FD9]  }
0x89: {  	s3 =	sld [smem:$0x3FFE];
	_ =	sdelay $0x1  }
0x8a: {  	s1 =	srdreg.scid  }
0x8b: {  	s0 =	sand.u32 $0x1, s1  }
0x8c: {  	s17 =	sshll.u32 s0, $0xA;
	s2 =	sadd.s32 s3, s2  }
0x8d: {  	s2 =	sadd.s32 s2, s17  }
0x8e: {  	[smem:$0x3FC2] =	sst s2  }
0x8f: {  	_ = 	snop  }
0x90: {  	s2 =	sld [smem:$0x3FD0];
	(tm) =	ssettm $0x1  }
0x91: {  	s18 =	sld [smem:$0x3FFB];
	_ =	sdelay $0x3  }
0x92: {  	_ =	strace s18  }
0x93: {  	s3 =	sld [smem:$0x3FFC];
	_ =	sdelay $0x3  }
0x94: {  	_ =	strace s3  }
0x95: {  	s3 =	sld [smem:$0x3FFD];
	_ =	sdelay $0x3  }
0x96: {  	_ =	strace s3  }
0x97: {  	_ =	strace $0x8FFFFFFF  }
0x98: {  	s19 =	sld [smem:$0x3FDB];
	_ =	sdelay $0x1  }
0x99: {  	s4 =	simm.s32 $_scs_section_size  }
0x9a: {  	s5 =	simm.s32 $_size__tile_overlayer_lowered;
	s6 =	simm.s32 $_tile_overlayer_lowered  }
0x9b: {  	s22 =	simm.s32 $0x1BFF;
	s21 =	sshll.u32 s6, $0x1;
	s3 =	sadd.s32 s4, s19  }
0x9c: {  	s7 =	simm.s32 $0x0;
	s20 =	sshll.u32 s5, $0x1;
	s5 =	sadd.s32 s21, s3  }
0x9d: {  	[timem:s7], [sflag:s22] =	dma.local [hbm:s5], s20  }
0x9e: {  	_ =	swait.ge [sflag:s22], s20  }
0x9f: {  	s4 =	ssub.s32 $0x0, s20;
	[sflag:s22] =	ssyncset.done $0x0  }
0xa0: {  	[sflag:s22] =	ssyncadd.s32 s4;
	_ =	sdelay $0x1  }
0xa1: {  	s23 =	simm.s32 $0x1B8B  }
0xa2: {  	_ =	swait.ge [sflag:s23], $0x1  }
0xa3: {  	[sflag:s23] =	ssyncset.done $0x0  }
0xa4: {  	s25 =	simm.s32 $0x1B8E;
	s24 =	sld [smem:$0x3FFE];
	[sflag:s23] =	ssyncadd.s32 $0xFFFFFFFF  }
0xa5: {  	s26 =	simm.s32 $execute0_lowered;
	[smem:$0x3FD2] =	sst s25  }
0xa6: {  	s5 =	sshll.u32 s26, $0x1;
	_ =	strace $0x80000049;
	[dreg:$0x1] =	wrdreg $0xFFFFFFFF  }
0xa7: {  	s28 =	simm.s32 $_size_execute0_lowered;
	s3 =	sadd.s32 s3, s5;
	[dreg:$0x0] =	wrdreg $0x0  }
0xa8: {  	s5 =	sshll.u32 s28, $0x1;
	[dreg:$0x2] =	wrdreg s3  }
0xa9: {  	[dreg:$0x3] =	wrdreg s5  }
0xaa: {  	[dreg:$0x4] =	wrdreg $0xC0  }
0xab: {  	_ =	task [dreg:s7], $0x5FFFF  }
0xac: {  	[dreg:$0x1] =	wrdreg $0xFFFFFFFF  }
0xad: {  	[dreg:$0x0] =	wrdreg $0x60  }
0xae: {  	[dreg:$0x2] =	wrdreg s24  }
0xaf: {  	[dreg:$0x3] =	wrdreg s2  }
0xb0: {  	[dreg:$0x4] =	wrdreg $0x82000  }
0xb1: {  	[dreg:$0x5] =	wrdreg $0x9  }
0xb2: {  	_ =	task.clear_ibuf [dreg:s7], $0x6FFFF;
	_ =	strace $0x90000049  }
0xb3: {  	s29 =	simm.s32 $0x9;
	_ =	strace $0x8000004B  }
0xb4: {  	_ =	swait.ge [sflag:s29], $0x1  }
0xb5: {  	[sflag:s29] =	ssyncadd.s32 $0xFFFFFFFF  }
0xb6: {  	_ =	strace $0x9000004B  }
0xb7: {  	_ =	sfence  }
0xb8: {  	s30 =	sld [smem:$0x0];
	_ =	sdelay $0x2  }
0xb9: {  	s31 =	sshll.u32 s1, $0xD;
	s1 =	sshrl.u32 s1, $0x2  }
0xba: {  	s3 =	sand.u32 $0x4000, s31;
	s1 =	sadd.s32 s1, s30  }
0xbb: {  	s0 =	sor.u32 s3, s0;
	s1 =	sshll.u32 s1, $0x11  }
0xbc: {  	s0 =	sor.u32 s1, s0  }
0xbd: {  	s0 =	sadd.s32 $0x8F2B, s0  }
0xbe: {  	[sflag:s0] =	ssyncadd.remote.s32 $0x1  }
0xbf: {  	_ =	sfence.sel $0xFFFF  }
0xc0: {  	[dreg:$0x0] =	wrdreg $0xFFFFFFFF;
	(pc) =	sbr.abs _section_cstart, $3  }
0xc1: {  	[dreg:$0x1] =	wrdreg $0xFFFFFFFF  }
0xc2: {  	_ =	task.clear_ibuf [dreg:s7], $0x2FFFF;
	_ =	strace $0x9FFFFFFF  }
0xc3: {  	(tm) =	ssettm $0x7FFFFFFF  }
tec
execute0_lowered:
.L_overlay_start_1:
0x0: {  	(tag) =	ssettag $0x1  }
0x1: {  	s1 =	rddreg [dreg:$0x0]  }
0x2: {  	s0 =	rddreg [dreg:$0x1];
	s3 =	srdreg.scid  }
0x3: {  	s2 =	rddreg [dreg:$0x2];
	s13 =	stileid.u32;
	s28 =	simm.s32 $0x1  }
0x4: {  	s29 =	simm.s32 $0x5;
	s30 =	simm.s32 $0x6;
	s6 =	smul.u32 $0x14000, s13  }
0x5: {  	s31 =	simm.s32 $0x4200;
	s5 =	sand.u32 $0x1, s3;
	s9 =	smul.u32 $0xA0, s13  }
0x6: {  	s3 =	simm.s32 $0x0;
	s20 =	sadd.s32 $0x2800, s1;
	s10 =	smul.u32 $0x50000, s13  }
0x7: {  	s7 =	sadd.s32 $0x34800, s1;
	s22 =	sshll.u32 s13, $0x6;
	s13 =	smul.u32 $0x5000, s13  }
0x8: {  	s4 =	smul.u32 $0x140000, s5;
	[smem:$0x7FF] =	sst s3;
	s17 =	ssub.s32 $0x2, s5  }
0x9: {  	s18 =	ssub.s32 $0x0, s5;
	p0 =	seq.s32 s5, $0x0;
	s5 =	simm.s32 $0x78  }
0xa: {  	_ =	strace $0x8000004A;
	[dreg:$0x9] =	wrdreg s7;
	s8 =	sshrl.u32 s17, $0x1  }
0xb: {  	s5 =	simm.s32 @!p0 $0x28;
	s11 =	sand.u32 $0x78, s18;
	s21 =	sshrl.u32 s10, $0x2  }
0xc: {  	s6 =	sadd.s32 s6, s4;
	s4 =	sadd.s32 $0xC800, s1;
	s19 =	sadd.s32 s9, s11  }
0xd: {  	s7 =	sadd.s32 s21, s2;
	s14 =	sshll.u32 s11, $0x7;
	s15 =	sadd.s32 $0xFFFFFFFE, s5  }
0xe: {  	s10 =	sshll.u32 s5, $0x4;
	s16 =	sadd.s32 $0xFFFFFFFD, s5;
	s6 =	sshrl.u32 s6, $0x3  }
0xf: {  	[dreg:$0xa] =	wrdreg s7;
	s7 =	sor.u32 $0x1C07, s22;
	s23 =	sshll.u32 s19, $0x4  }
0x10: {  	s21 =	sadd.s32 s14, s13;
	s11 =	sadd.s32 $0xFFFFFFE0, s10;
	s1 =	sadd.s32 s6, s1  }
0x11: {  	s6 =	ssub.s32 s17, s8;
	s8 =	sadd.s32 s0, s23;
	s12 =	sor.u32 $0x10, s23  }
0x12: {  	s25 =	sadd.s32 s20, s23;
	s9 =	sor.u32 $0x280, s21;
	[dreg:$0x4] =	wrdreg s11  }
0x13: {  	s18 =	sor.u32 $0x200, s21;
	s19 =	sor.u32 $0x180, s21;
	[dreg:$0xb] =	wrdreg s8  }
0x14: {  	s21 =	sor.u32 $0x100, s21;
	s24 =	sadd.s32 s0, s12;
	[dreg:$0xd] =	wrdreg s25  }
0x15: {  	s26 =	sadd.s32 s20, s12;
	s12 =	sadd.s32 $0xFFFFFFFF, s5;
	s13 =	sadd.s32 $0x37000, s1  }
0x16: {  	s14 =	smax.u32 s6, $0x1;
	s1 =	sshrl.u32 s9, $0x3;
	s5 =	sshrl.u32 s18, $0x3  }
0x17: {  	s6 =	sshrl.u32 s19, $0x3;
	s25 =	sshrl.u32 s21, $0x3;
	[dreg:$0xc] =	wrdreg s24  }
0x18: {  	s21 =	simm.s32 $0x7;
	[dreg:$0xe] =	wrdreg s26;
	s17 =	sadd.s32 s1, s20  }
0x19: {  	s1 =	sadd.s32 s1, s0;
	s22 =	sadd.s32 s5, s20;
	s23 =	sadd.s32 s6, s20  }
0x1a: {  	s24 =	sadd.s32 s6, s0;
	s5 =	sadd.s32 s5, s0;
	s26 =	sadd.s32 s25, s20  }
0x1b: {  	s0 =	sadd.s32 s25, s0;
	s25 =	simm.s32 $0x3;
	[dreg:$0x5] =	wrdreg s23  }
0x1c: {  	s17 =	sadd.s32 $0xFFFFFFE0, s17;
	s18 =	sadd.s32 $0xFFFFFFE0, s1;
	[dreg:$0x6] =	wrdreg s24  }
0x1d: {  	s19 =	sadd.s32 $0xFFFFFFE0, s22;
	s20 =	sadd.s32 $0xFFFFFFE0, s5;
	[dreg:$0x7] =	wrdreg s26  }
0x1e: {  	[dreg:$0x8] =	wrdreg s0;
	s22 =	simm.s32 $0x80;
	s23 =	simm.s32 $0x100  }
0x1f: {  	s24 =	simm.s32 $0x180;
	s26 =	simm.s32 $0x200;
	s0 =	simm.s32 $0x0  }
.LBB2_1:
0x20: {  	s1 =	rddreg [dreg:$0xa]  }
0x21: {  	s5 =	rddreg [dreg:$0x9];
	s1 =	sshrl.u32 s1, $0x3  }
0x22: {  	[spmem:s1], [sflag:s7] =	dma.local [hbm:s5], $0x2800  }
0x23: {  	_ =	swait.ge [sflag:s21], $0x2800  }
0x24: {  	[sflag:s21] =	ssyncset.done $0x0  }
0x25: {  	[sflag:s21] =	ssyncadd.s32 $0xFFFFD800  }
0x26: {  	[bflag:$0x0] =	sbarrier.arrive $0xFFFF  }
0x27: {  	s8 =	rddreg [dreg:$0xb]  }
0x28: {  	[tilespmem:s3], [sflag:$0x3] =	stream.linear.gather [hbm4b:s8+s3], $0x80, $0x38;
	[tilespmem:$0x1C200] =	vst v63  }
0x29: {  	s9 =	rddreg [dreg:$0xc]  }
0x2a: {  	[tilespmem:s22], [sflag:$0x4] =	stream.linear.gather [hbm4b:s9+s3], $0x80, $0x38;
	[tilespmem:$0x1C200] =	vst v63  }
0x2b: {  	s10 =	rddreg [dreg:$0xd]  }
0x2c: {  	[tilespmem:s23], [sflag:$0x5] =	stream.linear.gather [hbm4b:s10+s3], $0x80, $0x38;
	[tilespmem:$0x1C200] =	vst v63  }
0x2d: {  	s11 =	rddreg [dreg:$0xe]  }
0x2e: {  	[tilespmem:s24], [sflag:$0x6] =	stream.linear.gather [hbm4b:s11+s3], $0x80, $0x38;
	[tilespmem:$0x1C200] =	vst v63  }
0x2f: {  	_ =	swait.ge [sflag:s25], $0x80  }
0x30: {  	[sflag:s25] =	ssyncset.done $0x0  }
0x31: {  	s6 =	simm.s32 $0x0;
	s5 =	simm.s32 $0x0;
	[sflag:s25] =	ssyncadd.s32 $0xFFFFFF80  }
0x32: {  	[tilespmem:s26], [sflag:$0x1] =	stream.indirect.gather [hbm4b:s4+s22], $0x80, s3, s22, $0xb8;
	[tilespmem:$0x1C200] =	vst v63  }
.LBB2_2:
0x33: {  	_ =	swait.ge [sflag:s28], $0x4000  }
0x34: {  	p0 =	sge.u32 s6, s12;
	[sflag:s28] =	ssyncset.done $0x0  }
0x35: {  	s8 =	simm.s32 @!p0 $0x4;
	[sflag:s28] =	ssyncadd.s32 $0xFFFFC000  }
0x36: {  	_ =	swait.ge @!p0 [sflag:s8], $0x80  }
0x37: {  	[sflag:s8] =	ssyncset.done @!p0 $0x0  }
0x38: {  	s9 =	simm.s32 @!p0 $0x4200;
	[sflag:s8] =	ssyncadd.s32 @!p0 $0xFFFFFF80;
	s8 =	simm.s32 @!p0 $0x80  }
0x39: {  	[tilespmem:s9], [sflag:$0x2] =	stream.indirect.gather @!p0 [hbm4b:s4+s8], $0x80, s8, s8, $0xb8;
	[tilespmem:$0x1C200] =	vst v63  }
0x3a: {  	_ =	swait.ge [sflag:s29], $0x80  }
0x3b: {  	[sflag:s29] =	ssyncset.done $0x0  }
0x3c: {  	[sflag:s29] =	ssyncadd.s32 $0xFFFFFF80  }
0x3d: {  	[spmem:s2] =	stream.indirect.scatter.add.f32 [tilespmem:s26], [sflag:$0x7], $0x80, s23, s22, $0xb8;
	[tilespmem:$0x1C200] =	vst v63  }
0x3e: {  	_ =	swait.ge [sflag:s21], $0x4000  }
0x3f: {  	p0 =	sge.u32 s6, s15;
	[sflag:s21] =	ssyncset.done $0x0  }
0x40: {  	s8 =	simm.s32 @p0 $0x2;
	[sflag:s21] =	ssyncadd.s32 $0xFFFFC000  }
0x41: {  	_ =	swait.ge @p0 [sflag:s8], $0x4000  }
0x42: {  	s9 =	rddreg [dreg:$0x8]  }
0x43: {  	[sflag:s8] =	ssyncset.done @p0 $0x0;
	s10 =	rddreg [dreg:$0x7]  }
0x44: {  	[sflag:s8] =	ssyncadd.s32 @p0 $0xFFFFC000;
	s8 =	sadd.s32 @!p0 s5, s9;
	s9 =	simm.s32 @!p0 $0x0  }
0x45: {  	[tilespmem:s9], [sflag:$0x3] =	stream.linear.gather @!p0 [hbm4b:s8+s9], $0x80, $0x38;
	[tilespmem:$0x1C200] =	vst v63  }
0x46: {  	s8 =	sadd.s32 @!p0 s5, s10;
	s10 =	simm.s32 @!p0 $0x100  }
0x47: {  	[tilespmem:s10], [sflag:$0x5] =	stream.linear.gather @!p0 [hbm4b:s8+s9], $0x80, $0x38;
	[tilespmem:$0x1C200] =	vst v63  }
0x48: {  	s8 =	simm.s32 @!p0 $0x2  }
0x49: {  	_ =	swait.ge @!p0 [sflag:s8], $0x4000  }
0x4a: {  	[sflag:s8] =	ssyncset.done @!p0 $0x0  }
0x4b: {  	[sflag:s8] =	ssyncadd.s32 @!p0 $0xFFFFC000;
	s8 =	simm.s32 @!p0 $0x3  }
0x4c: {  	_ =	swait.ge @!p0 [sflag:s8], $0x80  }
0x4d: {  	[sflag:s8] =	ssyncset.done @!p0 $0x0  }
0x4e: {  	s10 =	simm.s32 @!p0 $0x200;
	[sflag:s8] =	ssyncadd.s32 @!p0 $0xFFFFFF80;
	s8 =	simm.s32 @!p0 $0x80  }
0x4f: {  	[tilespmem:s10], [sflag:$0x1] =	stream.indirect.gather @!p0 [hbm4b:s4+s8], $0x80, s9, s8, $0xb8;
	[tilespmem:$0x1C200] =	vst v63  }
0x50: {  	_ =	swait.ge [sflag:s30], $0x80  }
0x51: {  	[sflag:s30] =	ssyncset.done $0x0  }
0x52: {  	p0 =	sge.u32 s6, s16;
	[sflag:s30] =	ssyncadd.s32 $0xFFFFFF80  }
0x53: {  	[spmem:s2] =	stream.indirect.scatter.add.f32 [tilespmem:s31], [sflag:$0x7], $0x80, s24, s22, $0xb8;
	[tilespmem:$0x1C200] =	vst v63  }
0x54: {  	s10 =	simm.s32 @!p0 $0x0;
	_ =	swait.ge [sflag:s21], $0x4000  }
0x55: {  	s11 =	simm.s32 @!p0 $0x80;
	s8 =	rddreg [dreg:$0x6];
	[sflag:s21] =	ssyncset.done $0x0  }
0x56: {  	s9 =	rddreg [dreg:$0x5];
	[sflag:s21] =	ssyncadd.s32 $0xFFFFC000;
	s8 =	sadd.s32 @!p0 s5, s8  }
0x57: {  	[tilespmem:s11], [sflag:$0x4] =	stream.linear.gather @!p0 [hbm4b:s8+s10], $0x80, $0x38;
	[tilespmem:$0x1C200] =	vst v63  }
0x58: {  	s8 =	sadd.s32 @!p0 s5, s9  }
0x59: {  	s9 =	simm.s32 @!p0 $0x180;
	s11 =	rddreg [dreg:$0x4];
	s5 =	sadd.s32 $0x20, s5  }
0x5a: {  	[tilespmem:s9], [sflag:$0x6] =	stream.linear.gather @!p0 [hbm4b:s8+s10], $0x80, $0x38;
	[tilespmem:$0x1C200] =	vst v63  }
0x5b: {  	p0 =	sne.s32 s11, s5  }
.Ltmp0:
0x5c: {  	_ = 	snop;
	(pc) =	sbr.rel @p0 .LBB2_2-.Ltmp0, $2  }
0x5d: {  	_ =	sdelay $0x2  }
0x5e: {  	s6 =	sadd.s32 $0x2, s6  }
0x5f: {  	_ =	swait.ge [sflag:s28], $0x4000  }
0x60: {  	p0 =	sge.u32 s6, s12;
	[sflag:s28] =	ssyncset.done $0x0  }
0x61: {  	s8 =	simm.s32 @!p0 $0x4;
	[sflag:s28] =	ssyncadd.s32 $0xFFFFC000  }
0x62: {  	_ =	swait.ge @!p0 [sflag:s8], $0x80  }
0x63: {  	[sflag:s8] =	ssyncset.done @!p0 $0x0  }
0x64: {  	s9 =	simm.s32 @!p0 $0x4200;
	[sflag:s8] =	ssyncadd.s32 @!p0 $0xFFFFFF80;
	s8 =	simm.s32 @!p0 $0x80  }
0x65: {  	[tilespmem:s9], [sflag:$0x2] =	stream.indirect.gather @!p0 [hbm4b:s4+s8], $0x80, s8, s8, $0xb8;
	[tilespmem:$0x1C200] =	vst v63  }
0x66: {  	_ =	swait.ge [sflag:s29], $0x80  }
0x67: {  	[sflag:s29] =	ssyncset.done $0x0  }
0x68: {  	[sflag:s29] =	ssyncadd.s32 $0xFFFFFF80  }
0x69: {  	[spmem:s2] =	stream.indirect.scatter.add.f32 [tilespmem:s26], [sflag:$0x7], $0x80, s23, s22, $0xb8;
	[tilespmem:$0x1C200] =	vst v63  }
0x6a: {  	_ =	swait.ge [sflag:s21], $0x4000  }
0x6b: {  	p0 =	slt.u32 s6, s15;
	[sflag:s21] =	ssyncset.done $0x0  }
0x6c: {  	s8 =	sadd.s32 @p0 s5, s20;
	s9 =	simm.s32 @p0 $0x0;
	[sflag:s21] =	ssyncadd.s32 $0xFFFFC000  }
0x6d: {  	[tilespmem:s9], [sflag:$0x3] =	stream.linear.gather @p0 [hbm4b:s8+s9], $0x80, $0x38;
	[tilespmem:$0x1C200] =	vst v63  }
0x6e: {  	s10 =	simm.s32 @p0 $0x100;
	s8 =	sadd.s32 @p0 s5, s19  }
0x6f: {  	[tilespmem:s10], [sflag:$0x5] =	stream.linear.gather @p0 [hbm4b:s8+s9], $0x80, $0x38;
	[tilespmem:$0x1C200] =	vst v63  }
0x70: {  	s8 =	simm.s32 @p0 $0x2  }
0x71: {  	_ =	swait.ge @p0 [sflag:s8], $0x4000  }
0x72: {  	[sflag:s8] =	ssyncset.done @p0 $0x0  }
0x73: {  	[sflag:s8] =	ssyncadd.s32 @p0 $0xFFFFC000;
	s8 =	simm.s32 @p0 $0x3  }
0x74: {  	_ =	swait.ge @p0 [sflag:s8], $0x80  }
0x75: {  	[sflag:s8] =	ssyncset.done @p0 $0x0  }
0x76: {  	s10 =	simm.s32 @p0 $0x200;
	[sflag:s8] =	ssyncadd.s32 @p0 $0xFFFFFF80;
	s8 =	simm.s32 @p0 $0x80  }
0x77: {  	[tilespmem:s10], [sflag:$0x1] =	stream.indirect.gather @p0 [hbm4b:s4+s8], $0x80, s9, s8, $0xb8;
	[tilespmem:$0x1C200] =	vst v63  }
0x78: {  	s8 =	simm.s32 @!p0 $0x2  }
0x79: {  	_ =	swait.ge @!p0 [sflag:s8], $0x4000  }
0x7a: {  	[sflag:s8] =	ssyncset.done @!p0 $0x0  }
0x7b: {  	[sflag:s8] =	ssyncadd.s32 @!p0 $0xFFFFC000  }
0x7c: {  	_ =	swait.ge [sflag:s30], $0x80  }
0x7d: {  	[sflag:s30] =	ssyncset.done $0x0  }
0x7e: {  	[sflag:s30] =	ssyncadd.s32 $0xFFFFFF80  }
0x7f: {  	[spmem:s2] =	stream.indirect.scatter.add.f32 [tilespmem:s31], [sflag:$0x7], $0x80, s24, s22, $0xb8;
	[tilespmem:$0x1C200] =	vst v63  }
0x80: {  	p0 =	sge.u32 s6, s16;
	_ =	swait.ge [sflag:s21], $0x4000  }
0x81: {  	s6 =	sadd.s32 @!p0 s5, s18;
	[sflag:s21] =	ssyncset.done $0x0  }
0x82: {  	s8 =	simm.s32 @!p0 $0x0;
	s9 =	simm.s32 @!p0 $0x80;
	[sflag:s21] =	ssyncadd.s32 $0xFFFFC000  }
0x83: {  	[tilespmem:s9], [sflag:$0x4] =	stream.linear.gather @!p0 [hbm4b:s6+s8], $0x80, $0x38;
	[tilespmem:$0x1C200] =	vst v63  }
0x84: {  	s0 =	sadd.s32 $0x1, s0;
	s5 =	sadd.s32 @!p0 s5, s17;
	s6 =	simm.s32 @!p0 $0x180  }
0x85: {  	[tilespmem:s6], [sflag:$0x6] =	stream.linear.gather @!p0 [hbm4b:s5+s8], $0x80, $0x38;
	[tilespmem:$0x1C200] =	vst v63  }
0x86: {  	p0 =	sne.s32 s0, s14  }
.Ltmp1:
0x87: {  	[bflag:$0x0] =	sbarrier.arrive $0xFFFF;
	(pc) =	sbr.rel @p0 .LBB2_1-.Ltmp1, $4  }
0x88: {  	[hbm:s13], [sflag:s7] =	dma.local [spmem:s1], $0x2800  }
0x89: {  	_ =	swait.ge [sflag:s21], $0x2800  }
0x8a: {  	[sflag:s21] =	ssyncset.done $0x0  }
0x8b: {  	[sflag:s21] =	ssyncadd.s32 $0xFFFFD800  }
0x8c: {  	_ =	sfence.sel $0x180000  }
0x8d: {  	[bflag:$0x0] =	sbarrier.arrive $0xFFFF  }
0x8e: {  	_ =	strace $0x9000004A  }
0x8f: {  	s0 =	stileid.u32;
	[bflag:$0x2] =	sbarrier.arrive $0xFFFF  }
0x90: {  	p0 =	sne.s32 s0, $0x0;
	s0 =	rddreg [dreg:$0x3]  }
0x91: {  	s0 =	sadd.s32 @!p0 $0x100000, s0  }
0x92: {  	[sflag:s0] =	ssyncadd.tile.s32 @!p0 $0x1;
	_ =	shalt  }
.Lfunc_end2:
_tile_overlayer_lowered:
.L_overlay_start_2:
0x93: {  	(tag) =	ssettag $0x2  }
0x94: {  	s0 =	rddreg [dreg:$0x0];
	s2 =	stileid.u32  }
0x95: {  	s1 =	rddreg [dreg:$0x1];
	p0 =	sne.s32 s2, $0x0  }
0x96: {  	s3 =	rddreg [dreg:$0x2];
	[bflag:$0x3] =	sbarrier.arrive $0xFFFF;
	s2 =	simm.s32 @!p0 $0x1C07  }
0x97: {  	[timem:s3], [sflag:s2] =	dma.local @!p0 [hbm:s0], s1  }
0x98: {  	s0 =	simm.s32 @!p0 $0x7  }
0x99: {  	_ =	swait.ge @!p0 [sflag:s0], s1  }
0x9a: {  	s1 =	ssub.s32 @!p0 $0x0, s1;
	[sflag:s0] =	ssyncset.done @!p0 $0x0  }
0x9b: {  	[sflag:s0] =	ssyncadd.s32 @!p0 s1  }
0x9c: {  	[bflag:$0x3] =	sbarrier.arrive $0xFFFF  }
0x9d: {  	_ =	shalt  }

// kernel: kernel.15.cloned.1.call-start
scs
__scs_entry_jumppad:
0x0: {  	(pc) =	sbr.rel $0x88, $3  }
0x1: {  	(tag) =	ssettag $0x0;
	lr =	simm.s32 $0x1  }
0x2: {  	[smem:$0x3F9B] =	sst lr;
	_ =	strace $0xD0000000  }
0x3: {  	_ = 	snop  }
0x4: {  	_ = 	snop  }
0x5: {  	_ = 	snop  }
0x6: {  	_ = 	snop  }
0x7: {  	_ = 	snop  }
__scs_overlays_trampoline_lowered:
0x8: {  	[smem:$0x3FAA] =	sst s0  }
0x9: {  	[smem:$0x3FAB] =	sst s1  }
0xa: {  	[smem:$0x3FAC] =	sst s2  }
0xb: {  	[smem:$0x3FAD] =	sst s3  }
0xc: {  	[smem:$0x3FAE] =	sst s4  }
0xd: {  	[smem:$0x3FAF] =	sst s5  }
0xe: {  	[smem:$0x3FB0] =	sst s6  }
0xf: {  	[smem:$0x3FB1] =	sst s7  }
0x10: {  	[smem:$0x3FB2] =	sst s8  }
0x11: {  	[smem:$0x3FB3] =	sst s9;
	s0 =	simm.s32 @!p0 $0x0  }
0x12: {  	s1 =	sld [smem:$0x3F99];
	s0 =	simm.s32 @p0 $0x1  }
0x13: {  	[smem:$0x3FB4] =	sst s0;
	s0 =	simm.s32 @!p1 $0x0  }
0x14: {  	s2 =	sld [smem:$0x3F98];
	s0 =	simm.s32 @p1 $0x1  }
0x15: {  	[smem:$0x3FB5] =	sst s0;
	s0 =	simm.s32 @!p2 $0x0  }
0x16: {  	s3 =	sld [smem:$0x3FDB];
	s0 =	simm.s32 @p2 $0x1  }
0x17: {  	s4 =	simm.s32 $0x1BF5;
	[smem:$0x3FB7] =	sst s0  }
0x18: {  	s0 =	sld [smem:$0x3F9A];
	_ =	swait.ge [sflag:s4], $0x0  }
0x19: {  	s7 =	sld [smem:$0x3F9B]  }
0x1a: {  	s8 =	sadd.s32 $0xFFFFE003, lr  }
0x1b: {  	s9 =	sadd.s32 $0xFFFFFEF7, lr;
	s5 =	simm.s32 $0xFFFFFFFF;
	p2 =	slt.u32 s8, $0xFFFFF086  }
0x1c: {  	p1 =	slt.u32 s9, $0xF7A;
	s5 =	simm.s32 @!p2 $0x0  }
0x1d: {  	s5 =	simm.s32 @p1 $0x1;
	p0 =	seq.s32 s7, s2  }
0x1e: {  	s7 =	smul.u32 @!p0 $0xF7A, s2;
	p2 =	seq.s32 @!p0 s5, $0x0  }
0x1f: {  	s9 =	smul.u32 $0xF7A, s1;
	s8 =	simm.s32 @!p0 $0x1BF5;
	p2 =	por !p2, p0  }
0x20: {  	[sflag:s8] =	ssyncset.s32 @!p0 $0xFFFFF086;
	s6 =	sadd.s32 @!p0 s3, s7;
	s7 =	simm.s32 @!p0 $0x108  }
0x21: {  	s3 =	sadd.s32 s3, s9;
	s6 =	sadd.s32 @!p0 $0x88, s6;
	s7 =	simm.s32 @p2 $0x1082  }
0x22: {  	[simem:s7], [sflag:s8] =	dma.local @!p0 [hbm:s6], $0xF7A  }
0x23: {  	s9 =	sor.u32 $0xD0000000, s2;
	s6 =	simm.s32 $0x108;
	_ =	swait.ge @!p0 [sflag:s8], $0x0  }
0x24: {  	s3 =	sadd.s32 $0x88, s3;
	s6 =	simm.s32 @!p1 $0x1082;
	[sflag:s4] =	ssyncset.s32 $0xFFFFF086  }
0x25: {  	[simem:s6], [sflag:s4] =	dma.local [hbm:s3], $0xF7A  }
0x26: {  	[smem:$0x3F9B] =	sst s1;
	(tag) =	ssettag s2;
	_ =	strace s9  }
0x27: {  	s1 =	sld [smem:$0x3FAB]  }
0x28: {  	s2 =	sld [smem:$0x3FAC]  }
0x29: {  	s4 =	sld [smem:$0x3FAE]  }
0x2a: {  	p0 =	seq.s32 s5, $0x0;
	s5 =	sld [smem:$0x3FAF]  }
0x2b: {  	s6 =	sld [smem:$0x3FB0]  }
0x2c: {  	s7 =	sld [smem:$0x3FB1]  }
0x2d: {  	s3 =	simm.s32 $0x108;
	s8 =	sld [smem:$0x3FB2]  }
0x2e: {  	s3 =	simm.s32 @!p0 $0x1082;
	s9 =	sld [smem:$0x3FB3]  }
0x2f: {  	lr =	sadd.s32 s0, s3;
	s0 =	sld [smem:$0x3FAA]  }
0x30: {  	s3 =	sld [smem:$0x3FAD]  }
0x31: {  	[smem:$0x3FB6] =	sst s10  }
0x32: {  	s10 =	sld [smem:$0x3FB4];
	_ =	sdelay $0x3  }
0x33: {  	p0 =	seq.s32 s10, $0x1;
	s10 =	sld [smem:$0x3FB6];
	_ =	sdelay $0x3  }
0x34: {  	[smem:$0x3FB6] =	sst s10  }
0x35: {  	s10 =	sld [smem:$0x3FB5];
	_ =	sdelay $0x3  }
0x36: {  	p1 =	seq.s32 s10, $0x1;
	s10 =	sld [smem:$0x3FB6];
	_ =	sdelay $0x3  }
0x37: {  	[smem:$0x3FB6] =	sst s10  }
0x38: {  	s10 =	sld [smem:$0x3FB7]  }
0x39: {  	_ = 	snop;
	(pc) =	sbr.ind lr, $3  }
0x3a: {  	_ = 	snop  }
0x3b: {  	_ = 	snop  }
0x3c: {  	p2 =	seq.s32 s10, $0x1;
	s10 =	sld [smem:$0x3FB6]  }
0x3d: {  	_ =	shalt  }
0x3e: {  	_ =	shalt  }
0x3f: {  	_ =	shalt  }
0x40: {  	_ =	shalt  }
0x41: {  	_ =	shalt  }
0x42: {  	_ =	shalt  }
0x43: {  	_ =	shalt  }
0x44: {  	_ =	shalt  }
0x45: {  	_ =	shalt  }
0x46: {  	_ =	shalt  }
0x47: {  	_ =	shalt  }
0x48: {  	_ =	shalt  }
0x49: {  	_ =	shalt  }
0x4a: {  	_ =	shalt  }
0x4b: {  	_ =	shalt  }
0x4c: {  	_ =	shalt  }
0x4d: {  	_ =	shalt  }
0x4e: {  	_ =	shalt  }
0x4f: {  	_ =	shalt  }
0x50: {  	_ =	shalt  }
0x51: {  	_ =	shalt  }
0x52: {  	_ =	shalt  }
0x53: {  	_ =	shalt  }
0x54: {  	_ =	shalt  }
0x55: {  	_ =	shalt  }
0x56: {  	_ =	shalt  }
0x57: {  	_ =	shalt  }
0x58: {  	_ =	shalt  }
0x59: {  	_ =	shalt  }
0x5a: {  	_ =	shalt  }
0x5b: {  	_ =	shalt  }
0x5c: {  	_ =	shalt  }
0x5d: {  	_ =	shalt  }
0x5e: {  	_ =	shalt  }
0x5f: {  	_ =	shalt  }
0x60: {  	_ =	shalt  }
0x61: {  	_ =	shalt  }
0x62: {  	_ =	shalt  }
0x63: {  	_ =	shalt  }
0x64: {  	_ =	shalt  }
0x65: {  	_ =	shalt  }
0x66: {  	_ =	shalt  }
0x67: {  	_ =	shalt  }
0x68: {  	_ =	shalt  }
0x69: {  	_ =	shalt  }
0x6a: {  	_ =	shalt  }
0x6b: {  	_ =	shalt  }
0x6c: {  	_ =	shalt  }
0x6d: {  	_ =	shalt  }
0x6e: {  	_ =	shalt  }
0x6f: {  	_ =	shalt  }
0x70: {  	_ =	shalt  }
0x71: {  	_ =	shalt  }
0x72: {  	_ =	shalt  }
0x73: {  	_ =	shalt  }
0x74: {  	_ =	shalt  }
0x75: {  	_ =	shalt  }
0x76: {  	_ =	shalt  }
0x77: {  	_ =	shalt  }
0x78: {  	_ =	shalt  }
0x79: {  	_ =	shalt  }
0x7a: {  	_ =	shalt  }
0x7b: {  	_ =	shalt  }
0x7c: {  	_ =	shalt  }
0x7d: {  	_ =	shalt  }
0x7e: {  	_ =	shalt  }
0x7f: {  	_ =	shalt  }
0x80: {  	_ =	shalt  }
0x81: {  	_ =	shalt  }
0x82: {  	_ =	shalt  }
0x83: {  	_ =	shalt  }
0x84: {  	_ =	shalt  }
0x85: {  	_ =	shalt  }
0x86: {  	_ =	shalt  }
0x87: {  	_ =	shalt  }
.Lfunc_end0:
.L_simem_size_0:
called_computation.2_lowered:
.L_overlay_start_0:
0x88: {  	s2 =	sld [smem:$0x3FD9]  }
0x89: {  	s3 =	sld [smem:$0x3FFE];
	_ =	sdelay $0x1  }
0x8a: {  	s1 =	srdreg.scid  }
0x8b: {  	s0 =	sand.u32 $0x1, s1  }
0x8c: {  	s17 =	sshll.u32 s0, $0xA;
	s2 =	sadd.s32 s3, s2  }
0x8d: {  	s2 =	sadd.s32 s2, s17  }
0x8e: {  	[smem:$0x3FC2] =	sst s2  }
0x8f: {  	_ = 	snop  }
0x90: {  	s2 =	sld [smem:$0x3FD0];
	(tm) =	ssettm $0x1  }
0x91: {  	s18 =	sld [smem:$0x3FFB];
	_ =	sdelay $0x3  }
0x92: {  	_ =	strace s18  }
0x93: {  	s3 =	sld [smem:$0x3FFC];
	_ =	sdelay $0x3  }
0x94: {  	_ =	strace s3  }
0x95: {  	s3 =	sld [smem:$0x3FFD];
	_ =	sdelay $0x3  }
0x96: {  	_ =	strace s3  }
0x97: {  	_ =	strace $0x8FFFFFFF  }
0x98: {  	s19 =	sld [smem:$0x3FDB];
	_ =	sdelay $0x1  }
0x99: {  	s4 =	simm.s32 $_scs_section_size  }
0x9a: {  	s5 =	simm.s32 $_size__tile_overlayer_lowered;
	s6 =	simm.s32 $_tile_overlayer_lowered  }
0x9b: {  	s22 =	simm.s32 $0x1BFF;
	s21 =	sshll.u32 s6, $0x1;
	s3 =	sadd.s32 s4, s19  }
0x9c: {  	s7 =	simm.s32 $0x0;
	s20 =	sshll.u32 s5, $0x1;
	s5 =	sadd.s32 s21, s3  }
0x9d: {  	[timem:s7], [sflag:s22] =	dma.local [hbm:s5], s20  }
0x9e: {  	_ =	swait.ge [sflag:s22], s20  }
0x9f: {  	s4 =	ssub.s32 $0x0, s20;
	[sflag:s22] =	ssyncset.done $0x0  }
0xa0: {  	[sflag:s22] =	ssyncadd.s32 s4;
	_ =	sdelay $0x1  }
0xa1: {  	s23 =	simm.s32 $0x1B8B  }
0xa2: {  	_ =	swait.ge [sflag:s23], $0x1  }
0xa3: {  	[sflag:s23] =	ssyncset.done $0x0  }
0xa4: {  	s25 =	simm.s32 $0x1B8E;
	s24 =	sld [smem:$0x3FFE];
	[sflag:s23] =	ssyncadd.s32 $0xFFFFFFFF  }
0xa5: {  	s26 =	simm.s32 $execute0_lowered;
	[smem:$0x3FD2] =	sst s25  }
0xa6: {  	s5 =	sshll.u32 s26, $0x1;
	_ =	strace $0x8000004C;
	[dreg:$0x1] =	wrdreg $0xFFFFFFFF  }
0xa7: {  	s28 =	simm.s32 $_size_execute0_lowered;
	s3 =	sadd.s32 s3, s5;
	[dreg:$0x0] =	wrdreg $0x0  }
0xa8: {  	s5 =	sshll.u32 s28, $0x1;
	[dreg:$0x2] =	wrdreg s3  }
0xa9: {  	[dreg:$0x3] =	wrdreg s5  }
0xaa: {  	[dreg:$0x4] =	wrdreg $0xC0  }
0xab: {  	_ =	task [dreg:s7], $0x5FFFF  }
0xac: {  	[dreg:$0x1] =	wrdreg $0xFFFFFFFF  }
0xad: {  	[dreg:$0x0] =	wrdreg $0x60  }
0xae: {  	[dreg:$0x2] =	wrdreg s24  }
0xaf: {  	[dreg:$0x3] =	wrdreg s2  }
0xb0: {  	[dreg:$0x4] =	wrdreg $0x82000  }
0xb1: {  	[dreg:$0x5] =	wrdreg $0x9  }
0xb2: {  	_ =	task.clear_ibuf [dreg:s7], $0x6FFFF;
	_ =	strace $0x9000004C  }
0xb3: {  	s29 =	simm.s32 $0x9;
	_ =	strace $0x8000004E  }
0xb4: {  	_ =	swait.ge [sflag:s29], $0x1  }
0xb5: {  	[sflag:s29] =	ssyncadd.s32 $0xFFFFFFFF  }
0xb6: {  	_ =	strace $0x9000004E  }
0xb7: {  	_ =	sfence  }
0xb8: {  	s30 =	sld [smem:$0x0];
	_ =	sdelay $0x2  }
0xb9: {  	s31 =	sshll.u32 s1, $0xD;
	s1 =	sshrl.u32 s1, $0x2  }
0xba: {  	s3 =	sand.u32 $0x4000, s31;
	s1 =	sadd.s32 s1, s30  }
0xbb: {  	s0 =	sor.u32 s3, s0;
	s1 =	sshll.u32 s1, $0x11  }
0xbc: {  	s0 =	sor.u32 s1, s0  }
0xbd: {  	s0 =	sadd.s32 $0x8F2B, s0  }
0xbe: {  	[sflag:s0] =	ssyncadd.remote.s32 $0x1  }
0xbf: {  	_ =	sfence.sel $0xFFFF  }
0xc0: {  	[dreg:$0x0] =	wrdreg $0xFFFFFFFF;
	(pc) =	sbr.abs _section_cstart, $3  }
0xc1: {  	[dreg:$0x1] =	wrdreg $0xFFFFFFFF  }
0xc2: {  	_ =	task.clear_ibuf [dreg:s7], $0x2FFFF;
	_ =	strace $0x9FFFFFFF  }
0xc3: {  	(tm) =	ssettm $0x7FFFFFFF  }
tec
execute0_lowered:
.L_overlay_start_1:
0x0: {  	(tag) =	ssettag $0x1  }
0x1: {  	s1 =	rddreg [dreg:$0x0]  }
0x2: {  	s0 =	rddreg [dreg:$0x1];
	s3 =	srdreg.scid  }
0x3: {  	s2 =	rddreg [dreg:$0x2];
	s13 =	stileid.u32;
	s28 =	simm.s32 $0x1  }
0x4: {  	s29 =	simm.s32 $0x5;
	s30 =	simm.s32 $0x6;
	s6 =	smul.u32 $0x14000, s13  }
0x5: {  	s31 =	simm.s32 $0x4200;
	s5 =	sand.u32 $0x1, s3;
	s9 =	smul.u32 $0xA0, s13  }
0x6: {  	s3 =	simm.s32 $0x0;
	s20 =	sadd.s32 $0x2800, s1;
	s10 =	smul.u32 $0x50000, s13  }
0x7: {  	s7 =	sadd.s32 $0x34800, s1;
	s22 =	sshll.u32 s13, $0x6;
	s13 =	smul.u32 $0x5000, s13  }
0x8: {  	s4 =	smul.u32 $0x140000, s5;
	[smem:$0x7FF] =	sst s3;
	s17 =	ssub.s32 $0x2, s5  }
0x9: {  	s18 =	ssub.s32 $0x0, s5;
	p0 =	seq.s32 s5, $0x0;
	s5 =	simm.s32 $0x78  }
0xa: {  	_ =	strace $0x8000004D;
	[dreg:$0x9] =	wrdreg s7;
	s8 =	sshrl.u32 s17, $0x1  }
0xb: {  	s5 =	simm.s32 @!p0 $0x28;
	s11 =	sand.u32 $0x78, s18;
	s21 =	sshrl.u32 s10, $0x2  }
0xc: {  	s6 =	sadd.s32 s6, s4;
	s4 =	sadd.s32 $0xC800, s1;
	s19 =	sadd.s32 s9, s11  }
0xd: {  	s7 =	sadd.s32 s21, s2;
	s14 =	sshll.u32 s11, $0x7;
	s15 =	sadd.s32 $0xFFFFFFFE, s5  }
0xe: {  	s10 =	sshll.u32 s5, $0x4;
	s16 =	sadd.s32 $0xFFFFFFFD, s5;
	s6 =	sshrl.u32 s6, $0x3  }
0xf: {  	[dreg:$0xa] =	wrdreg s7;
	s7 =	sor.u32 $0x1C07, s22;
	s23 =	sshll.u32 s19, $0x4  }
0x10: {  	s21 =	sadd.s32 s14, s13;
	s11 =	sadd.s32 $0xFFFFFFE0, s10;
	s1 =	sadd.s32 s6, s1  }
0x11: {  	s6 =	ssub.s32 s17, s8;
	s8 =	sadd.s32 s0, s23;
	s12 =	sor.u32 $0x10, s23  }
0x12: {  	s25 =	sadd.s32 s20, s23;
	s9 =	sor.u32 $0x280, s21;
	[dreg:$0x4] =	wrdreg s11  }
0x13: {  	s18 =	sor.u32 $0x200, s21;
	s19 =	sor.u32 $0x180, s21;
	[dreg:$0xb] =	wrdreg s8  }
0x14: {  	s21 =	sor.u32 $0x100, s21;
	s24 =	sadd.s32 s0, s12;
	[dreg:$0xd] =	wrdreg s25  }
0x15: {  	s26 =	sadd.s32 s20, s12;
	s12 =	sadd.s32 $0xFFFFFFFF, s5;
	s13 =	sadd.s32 $0x37000, s1  }
0x16: {  	s14 =	smax.u32 s6, $0x1;
	s1 =	sshrl.u32 s9, $0x3;
	s5 =	sshrl.u32 s18, $0x3  }
0x17: {  	s6 =	sshrl.u32 s19, $0x3;
	s25 =	sshrl.u32 s21, $0x3;
	[dreg:$0xc] =	wrdreg s24  }
0x18: {  	s21 =	simm.s32 $0x7;
	[dreg:$0xe] =	wrdreg s26;
	s17 =	sadd.s32 s1, s20  }
0x19: {  	s1 =	sadd.s32 s1, s0;
	s22 =	sadd.s32 s5, s20;
	s23 =	sadd.s32 s6, s20  }
0x1a: {  	s24 =	sadd.s32 s6, s0;
	s5 =	sadd.s32 s5, s0;
	s26 =	sadd.s32 s25, s20  }
0x1b: {  	s0 =	sadd.s32 s25, s0;
	s25 =	simm.s32 $0x3;
	[dreg:$0x5] =	wrdreg s23  }
0x1c: {  	s17 =	sadd.s32 $0xFFFFFFE0, s17;
	s18 =	sadd.s32 $0xFFFFFFE0, s1;
	[dreg:$0x6] =	wrdreg s24  }
0x1d: {  	s19 =	sadd.s32 $0xFFFFFFE0, s22;
	s20 =	sadd.s32 $0xFFFFFFE0, s5;
	[dreg:$0x7] =	wrdreg s26  }
0x1e: {  	[dreg:$0x8] =	wrdreg s0;
	s22 =	simm.s32 $0x80;
	s23 =	simm.s32 $0x100  }
0x1f: {  	s24 =	simm.s32 $0x180;
	s26 =	simm.s32 $0x200;
	s0 =	simm.s32 $0x0  }
.LBB2_1:
0x20: {  	s1 =	rddreg [dreg:$0xa]  }
0x21: {  	s5 =	rddreg [dreg:$0x9];
	s1 =	sshrl.u32 s1, $0x3  }
0x22: {  	[spmem:s1], [sflag:s7] =	dma.local [hbm:s5], $0x2800  }
0x23: {  	_ =	swait.ge [sflag:s21], $0x2800  }
0x24: {  	[sflag:s21] =	ssyncset.done $0x0  }
0x25: {  	[sflag:s21] =	ssyncadd.s32 $0xFFFFD800  }
0x26: {  	[bflag:$0x0] =	sbarrier.arrive $0xFFFF  }
0x27: {  	s8 =	rddreg [dreg:$0xb]  }
0x28: {  	[tilespmem:s3], [sflag:$0x3] =	stream.linear.gather [hbm4b:s8+s3], $0x80, $0x38;
	[tilespmem:$0x1C200] =	vst v63  }
0x29: {  	s9 =	rddreg [dreg:$0xc]  }
0x2a: {  	[tilespmem:s22], [sflag:$0x4] =	stream.linear.gather [hbm4b:s9+s3], $0x80, $0x38;
	[tilespmem:$0x1C200] =	vst v63  }
0x2b: {  	s10 =	rddreg [dreg:$0xd]  }
0x2c: {  	[tilespmem:s23], [sflag:$0x5] =	stream.linear.gather [hbm4b:s10+s3], $0x80, $0x38;
	[tilespmem:$0x1C200] =	vst v63  }
0x2d: {  	s11 =	rddreg [dreg:$0xe]  }
0x2e: {  	[tilespmem:s24], [sflag:$0x6] =	stream.linear.gather [hbm4b:s11+s3], $0x80, $0x38;
	[tilespmem:$0x1C200] =	vst v63  }
0x2f: {  	_ =	swait.ge [sflag:s25], $0x80  }
0x30: {  	[sflag:s25] =	ssyncset.done $0x0  }
0x31: {  	s6 =	simm.s32 $0x0;
	s5 =	simm.s32 $0x0;
	[sflag:s25] =	ssyncadd.s32 $0xFFFFFF80  }
0x32: {  	[tilespmem:s26], [sflag:$0x1] =	stream.indirect.gather [hbm4b:s4+s22], $0x80, s3, s22, $0xb8;
	[tilespmem:$0x1C200] =	vst v63  }
.LBB2_2:
0x33: {  	_ =	swait.ge [sflag:s28], $0x4000  }
0x34: {  	p0 =	sge.u32 s6, s12;
	[sflag:s28] =	ssyncset.done $0x0  }
0x35: {  	s8 =	simm.s32 @!p0 $0x4;
	[sflag:s28] =	ssyncadd.s32 $0xFFFFC000  }
0x36: {  	_ =	swait.ge @!p0 [sflag:s8], $0x80  }
0x37: {  	[sflag:s8] =	ssyncset.done @!p0 $0x0  }
0x38: {  	s9 =	simm.s32 @!p0 $0x4200;
	[sflag:s8] =	ssyncadd.s32 @!p0 $0xFFFFFF80;
	s8 =	simm.s32 @!p0 $0x80  }
0x39: {  	[tilespmem:s9], [sflag:$0x2] =	stream.indirect.gather @!p0 [hbm4b:s4+s8], $0x80, s8, s8, $0xb8;
	[tilespmem:$0x1C200] =	vst v63  }
0x3a: {  	_ =	swait.ge [sflag:s29], $0x80  }
0x3b: {  	[sflag:s29] =	ssyncset.done $0x0  }
0x3c: {  	[sflag:s29] =	ssyncadd.s32 $0xFFFFFF80  }
0x3d: {  	[spmem:s2] =	stream.indirect.scatter.add.f32 [tilespmem:s26], [sflag:$0x7], $0x80, s23, s22, $0xb8;
	[tilespmem:$0x1C200] =	vst v63  }
0x3e: {  	_ =	swait.ge [sflag:s21], $0x4000  }
0x3f: {  	p0 =	sge.u32 s6, s15;
	[sflag:s21] =	ssyncset.done $0x0  }
0x40: {  	s8 =	simm.s32 @p0 $0x2;
	[sflag:s21] =	ssyncadd.s32 $0xFFFFC000  }
0x41: {  	_ =	swait.ge @p0 [sflag:s8], $0x4000  }
0x42: {  	s9 =	rddreg [dreg:$0x8]  }
0x43: {  	[sflag:s8] =	ssyncset.done @p0 $0x0;
	s10 =	rddreg [dreg:$0x7]  }
0x44: {  	[sflag:s8] =	ssyncadd.s32 @p0 $0xFFFFC000;
	s8 =	sadd.s32 @!p0 s5, s9;
	s9 =	simm.s32 @!p0 $0x0  }
0x45: {  	[tilespmem:s9], [sflag:$0x3] =	stream.linear.gather @!p0 [hbm4b:s8+s9], $0x80, $0x38;
	[tilespmem:$0x1C200] =	vst v63  }
0x46: {  	s8 =	sadd.s32 @!p0 s5, s10;
	s10 =	simm.s32 @!p0 $0x100  }
0x47: {  	[tilespmem:s10], [sflag:$0x5] =	stream.linear.gather @!p0 [hbm4b:s8+s9], $0x80, $0x38;
	[tilespmem:$0x1C200] =	vst v63  }
0x48: {  	s8 =	simm.s32 @!p0 $0x2  }
0x49: {  	_ =	swait.ge @!p0 [sflag:s8], $0x4000  }
0x4a: {  	[sflag:s8] =	ssyncset.done @!p0 $0x0  }
0x4b: {  	[sflag:s8] =	ssyncadd.s32 @!p0 $0xFFFFC000;
	s8 =	simm.s32 @!p0 $0x3  }
0x4c: {  	_ =	swait.ge @!p0 [sflag:s8], $0x80  }
0x4d: {  	[sflag:s8] =	ssyncset.done @!p0 $0x0  }
0x4e: {  	s10 =	simm.s32 @!p0 $0x200;
	[sflag:s8] =	ssyncadd.s32 @!p0 $0xFFFFFF80;
	s8 =	simm.s32 @!p0 $0x80  }
0x4f: {  	[tilespmem:s10], [sflag:$0x1] =	stream.indirect.gather @!p0 [hbm4b:s4+s8], $0x80, s9, s8, $0xb8;
	[tilespmem:$0x1C200] =	vst v63  }
0x50: {  	_ =	swait.ge [sflag:s30], $0x80  }
0x51: {  	[sflag:s30] =	ssyncset.done $0x0  }
0x52: {  	p0 =	sge.u32 s6, s16;
	[sflag:s30] =	ssyncadd.s32 $0xFFFFFF80  }
0x53: {  	[spmem:s2] =	stream.indirect.scatter.add.f32 [tilespmem:s31], [sflag:$0x7], $0x80, s24, s22, $0xb8;
	[tilespmem:$0x1C200] =	vst v63  }
0x54: {  	s10 =	simm.s32 @!p0 $0x0;
	_ =	swait.ge [sflag:s21], $0x4000  }
0x55: {  	s11 =	simm.s32 @!p0 $0x80;
	s8 =	rddreg [dreg:$0x6];
	[sflag:s21] =	ssyncset.done $0x0  }
0x56: {  	s9 =	rddreg [dreg:$0x5];
	[sflag:s21] =	ssyncadd.s32 $0xFFFFC000;
	s8 =	sadd.s32 @!p0 s5, s8  }
0x57: {  	[tilespmem:s11], [sflag:$0x4] =	stream.linear.gather @!p0 [hbm4b:s8+s10], $0x80, $0x38;
	[tilespmem:$0x1C200] =	vst v63  }
0x58: {  	s8 =	sadd.s32 @!p0 s5, s9  }
0x59: {  	s9 =	simm.s32 @!p0 $0x180;
	s11 =	rddreg [dreg:$0x4];
	s5 =	sadd.s32 $0x20, s5  }
0x5a: {  	[tilespmem:s9], [sflag:$0x6] =	stream.linear.gather @!p0 [hbm4b:s8+s10], $0x80, $0x38;
	[tilespmem:$0x1C200] =	vst v63  }
0x5b: {  	p0 =	sne.s32 s11, s5  }
.Ltmp0:
0x5c: {  	_ = 	snop;
	(pc) =	sbr.rel @p0 .LBB2_2-.Ltmp0, $2  }
0x5d: {  	_ =	sdelay $0x2  }
0x5e: {  	s6 =	sadd.s32 $0x2, s6  }
0x5f: {  	_ =	swait.ge [sflag:s28], $0x4000  }
0x60: {  	p0 =	sge.u32 s6, s12;
	[sflag:s28] =	ssyncset.done $0x0  }
0x61: {  	s8 =	simm.s32 @!p0 $0x4;
	[sflag:s28] =	ssyncadd.s32 $0xFFFFC000  }
0x62: {  	_ =	swait.ge @!p0 [sflag:s8], $0x80  }
0x63: {  	[sflag:s8] =	ssyncset.done @!p0 $0x0  }
0x64: {  	s9 =	simm.s32 @!p0 $0x4200;
	[sflag:s8] =	ssyncadd.s32 @!p0 $0xFFFFFF80;
	s8 =	simm.s32 @!p0 $0x80  }
0x65: {  	[tilespmem:s9], [sflag:$0x2] =	stream.indirect.gather @!p0 [hbm4b:s4+s8], $0x80, s8, s8, $0xb8;
	[tilespmem:$0x1C200] =	vst v63  }
0x66: {  	_ =	swait.ge [sflag:s29], $0x80  }
0x67: {  	[sflag:s29] =	ssyncset.done $0x0  }
0x68: {  	[sflag:s29] =	ssyncadd.s32 $0xFFFFFF80  }
0x69: {  	[spmem:s2] =	stream.indirect.scatter.add.f32 [tilespmem:s26], [sflag:$0x7], $0x80, s23, s22, $0xb8;
	[tilespmem:$0x1C200] =	vst v63  }
0x6a: {  	_ =	swait.ge [sflag:s21], $0x4000  }
0x6b: {  	p0 =	slt.u32 s6, s15;
	[sflag:s21] =	ssyncset.done $0x0  }
0x6c: {  	s8 =	sadd.s32 @p0 s5, s20;
	s9 =	simm.s32 @p0 $0x0;
	[sflag:s21] =	ssyncadd.s32 $0xFFFFC000  }
0x6d: {  	[tilespmem:s9], [sflag:$0x3] =	stream.linear.gather @p0 [hbm4b:s8+s9], $0x80, $0x38;
	[tilespmem:$0x1C200] =	vst v63  }
0x6e: {  	s10 =	simm.s32 @p0 $0x100;
	s8 =	sadd.s32 @p0 s5, s19  }
0x6f: {  	[tilespmem:s10], [sflag:$0x5] =	stream.linear.gather @p0 [hbm4b:s8+s9], $0x80, $0x38;
	[tilespmem:$0x1C200] =	vst v63  }
0x70: {  	s8 =	simm.s32 @p0 $0x2  }
0x71: {  	_ =	swait.ge @p0 [sflag:s8], $0x4000  }
0x72: {  	[sflag:s8] =	ssyncset.done @p0 $0x0  }
0x73: {  	[sflag:s8] =	ssyncadd.s32 @p0 $0xFFFFC000;
	s8 =	simm.s32 @p0 $0x3  }
0x74: {  	_ =	swait.ge @p0 [sflag:s8], $0x80  }
0x75: {  	[sflag:s8] =	ssyncset.done @p0 $0x0  }
0x76: {  	s10 =	simm.s32 @p0 $0x200;
	[sflag:s8] =	ssyncadd.s32 @p0 $0xFFFFFF80;
	s8 =	simm.s32 @p0 $0x80  }
0x77: {  	[tilespmem:s10], [sflag:$0x1] =	stream.indirect.gather @p0 [hbm4b:s4+s8], $0x80, s9, s8, $0xb8;
	[tilespmem:$0x1C200] =	vst v63  }
0x78: {  	s8 =	simm.s32 @!p0 $0x2  }
0x79: {  	_ =	swait.ge @!p0 [sflag:s8], $0x4000  }
0x7a: {  	[sflag:s8] =	ssyncset.done @!p0 $0x0  }
0x7b: {  	[sflag:s8] =	ssyncadd.s32 @!p0 $0xFFFFC000  }
0x7c: {  	_ =	swait.ge [sflag:s30], $0x80  }
0x7d: {  	[sflag:s30] =	ssyncset.done $0x0  }
0x7e: {  	[sflag:s30] =	ssyncadd.s32 $0xFFFFFF80  }
0x7f: {  	[spmem:s2] =	stream.indirect.scatter.add.f32 [tilespmem:s31], [sflag:$0x7], $0x80, s24, s22, $0xb8;
	[tilespmem:$0x1C200] =	vst v63  }
0x80: {  	p0 =	sge.u32 s6, s16;
	_ =	swait.ge [sflag:s21], $0x4000  }
0x81: {  	s6 =	sadd.s32 @!p0 s5, s18;
	[sflag:s21] =	ssyncset.done $0x0  }
0x82: {  	s8 =	simm.s32 @!p0 $0x0;
	s9 =	simm.s32 @!p0 $0x80;
	[sflag:s21] =	ssyncadd.s32 $0xFFFFC000  }
0x83: {  	[tilespmem:s9], [sflag:$0x4] =	stream.linear.gather @!p0 [hbm4b:s6+s8], $0x80, $0x38;
	[tilespmem:$0x1C200] =	vst v63  }
0x84: {  	s0 =	sadd.s32 $0x1, s0;
	s5 =	sadd.s32 @!p0 s5, s17;
	s6 =	simm.s32 @!p0 $0x180  }
0x85: {  	[tilespmem:s6], [sflag:$0x6] =	stream.linear.gather @!p0 [hbm4b:s5+s8], $0x80, $0x38;
	[tilespmem:$0x1C200] =	vst v63  }
0x86: {  	p0 =	sne.s32 s0, s14  }
.Ltmp1:
0x87: {  	[bflag:$0x0] =	sbarrier.arrive $0xFFFF;
	(pc) =	sbr.rel @p0 .LBB2_1-.Ltmp1, $4  }
0x88: {  	[hbm:s13], [sflag:s7] =	dma.local [spmem:s1], $0x2800  }
0x89: {  	_ =	swait.ge [sflag:s21], $0x2800  }
0x8a: {  	[sflag:s21] =	ssyncset.done $0x0  }
0x8b: {  	[sflag:s21] =	ssyncadd.s32 $0xFFFFD800  }
0x8c: {  	_ =	sfence.sel $0x180000  }
0x8d: {  	[bflag:$0x0] =	sbarrier.arrive $0xFFFF  }
0x8e: {  	_ =	strace $0x9000004D  }
0x8f: {  	s0 =	stileid.u32;
	[bflag:$0x2] =	sbarrier.arrive $0xFFFF  }
0x90: {  	p0 =	sne.s32 s0, $0x0;
	s0 =	rddreg [dreg:$0x3]  }
0x91: {  	s0 =	sadd.s32 @!p0 $0x100000, s0  }
0x92: {  	[sflag:s0] =	ssyncadd.tile.s32 @!p0 $0x1;
	_ =	shalt  }
.Lfunc_end2:
_tile_overlayer_lowered:
.L_overlay_start_2:
0x93: {  	(tag) =	ssettag $0x2  }
0x94: {  	s0 =	rddreg [dreg:$0x0];
	s2 =	stileid.u32  }
0x95: {  	s1 =	rddreg [dreg:$0x1];
	p0 =	sne.s32 s2, $0x0  }
0x96: {  	s3 =	rddreg [dreg:$0x2];
	[bflag:$0x3] =	sbarrier.arrive $0xFFFF;
	s2 =	simm.s32 @!p0 $0x1C07  }
0x97: {  	[timem:s3], [sflag:s2] =	dma.local @!p0 [hbm:s0], s1  }
0x98: {  	s0 =	simm.s32 @!p0 $0x7  }
0x99: {  	_ =	swait.ge @!p0 [sflag:s0], s1  }
0x9a: {  	s1 =	ssub.s32 @!p0 $0x0, s1;
	[sflag:s0] =	ssyncset.done @!p0 $0x0  }
0x9b: {  	[sflag:s0] =	ssyncadd.s32 @!p0 s1  }
0x9c: {  	[bflag:$0x3] =	sbarrier.arrive $0xFFFF  }
0x9d: {  	_ =	shalt  }

// kernel: kernel.9.cloned.1.call-start
scs
__scs_entry_jumppad:
0x0: {  	(pc) =	sbr.rel $0x88, $3  }
0x1: {  	(tag) =	ssettag $0x0;
	lr =	simm.s32 $0x1  }
0x2: {  	[smem:$0x3F9B] =	sst lr;
	_ =	strace $0xD0000000  }
0x3: {  	_ = 	snop  }
0x4: {  	_ = 	snop  }
0x5: {  	_ = 	snop  }
0x6: {  	_ = 	snop  }
0x7: {  	_ = 	snop  }
__scs_overlays_trampoline_lowered:
0x8: {  	[smem:$0x3FAA] =	sst s0  }
0x9: {  	[smem:$0x3FAB] =	sst s1  }
0xa: {  	[smem:$0x3FAC] =	sst s2  }
0xb: {  	[smem:$0x3FAD] =	sst s3  }
0xc: {  	[smem:$0x3FAE] =	sst s4  }
0xd: {  	[smem:$0x3FAF] =	sst s5  }
0xe: {  	[smem:$0x3FB0] =	sst s6  }
0xf: {  	[smem:$0x3FB1] =	sst s7  }
0x10: {  	[smem:$0x3FB2] =	sst s8  }
0x11: {  	[smem:$0x3FB3] =	sst s9;
	s0 =	simm.s32 @!p0 $0x0  }
0x12: {  	s1 =	sld [smem:$0x3F99];
	s0 =	simm.s32 @p0 $0x1  }
0x13: {  	[smem:$0x3FB4] =	sst s0;
	s0 =	simm.s32 @!p1 $0x0  }
0x14: {  	s2 =	sld [smem:$0x3F98];
	s0 =	simm.s32 @p1 $0x1  }
0x15: {  	[smem:$0x3FB5] =	sst s0;
	s0 =	simm.s32 @!p2 $0x0  }
0x16: {  	s3 =	sld [smem:$0x3FDB];
	s0 =	simm.s32 @p2 $0x1  }
0x17: {  	s4 =	simm.s32 $0x1BF5;
	[smem:$0x3FB7] =	sst s0  }
0x18: {  	s0 =	sld [smem:$0x3F9A];
	_ =	swait.ge [sflag:s4], $0x0  }
0x19: {  	s7 =	sld [smem:$0x3F9B]  }
0x1a: {  	s8 =	sadd.s32 $0xFFFFE003, lr  }
0x1b: {  	s9 =	sadd.s32 $0xFFFFFEF7, lr;
	s5 =	simm.s32 $0xFFFFFFFF;
	p2 =	slt.u32 s8, $0xFFFFF086  }
0x1c: {  	p1 =	slt.u32 s9, $0xF7A;
	s5 =	simm.s32 @!p2 $0x0  }
0x1d: {  	s5 =	simm.s32 @p1 $0x1;
	p0 =	seq.s32 s7, s2  }
0x1e: {  	s7 =	smul.u32 @!p0 $0xF7A, s2;
	p2 =	seq.s32 @!p0 s5, $0x0  }
0x1f: {  	s9 =	smul.u32 $0xF7A, s1;
	s8 =	simm.s32 @!p0 $0x1BF5;
	p2 =	por !p2, p0  }
0x20: {  	[sflag:s8] =	ssyncset.s32 @!p0 $0xFFFFF086;
	s6 =	sadd.s32 @!p0 s3, s7;
	s7 =	simm.s32 @!p0 $0x108  }
0x21: {  	s3 =	sadd.s32 s3, s9;
	s6 =	sadd.s32 @!p0 $0x88, s6;
	s7 =	simm.s32 @p2 $0x1082  }
0x22: {  	[simem:s7], [sflag:s8] =	dma.local @!p0 [hbm:s6], $0xF7A  }
0x23: {  	s9 =	sor.u32 $0xD0000000, s2;
	s6 =	simm.s32 $0x108;
	_ =	swait.ge @!p0 [sflag:s8], $0x0  }
0x24: {  	s3 =	sadd.s32 $0x88, s3;
	s6 =	simm.s32 @!p1 $0x1082;
	[sflag:s4] =	ssyncset.s32 $0xFFFFF086  }
0x25: {  	[simem:s6], [sflag:s4] =	dma.local [hbm:s3], $0xF7A  }
0x26: {  	[smem:$0x3F9B] =	sst s1;
	(tag) =	ssettag s2;
	_ =	strace s9  }
0x27: {  	s1 =	sld [smem:$0x3FAB]  }
0x28: {  	s2 =	sld [smem:$0x3FAC]  }
0x29: {  	s4 =	sld [smem:$0x3FAE]  }
0x2a: {  	p0 =	seq.s32 s5, $0x0;
	s5 =	sld [smem:$0x3FAF]  }
0x2b: {  	s6 =	sld [smem:$0x3FB0]  }
0x2c: {  	s7 =	sld [smem:$0x3FB1]  }
0x2d: {  	s3 =	simm.s32 $0x108;
	s8 =	sld [smem:$0x3FB2]  }
0x2e: {  	s3 =	simm.s32 @!p0 $0x1082;
	s9 =	sld [smem:$0x3FB3]  }
0x2f: {  	lr =	sadd.s32 s0, s3;
	s0 =	sld [smem:$0x3FAA]  }
0x30: {  	s3 =	sld [smem:$0x3FAD]  }
0x31: {  	[smem:$0x3FB6] =	sst s10  }
0x32: {  	s10 =	sld [smem:$0x3FB4];
	_ =	sdelay $0x3  }
0x33: {  	p0 =	seq.s32 s10, $0x1;
	s10 =	sld [smem:$0x3FB6];
	_ =	sdelay $0x3  }
0x34: {  	[smem:$0x3FB6] =	sst s10  }
0x35: {  	s10 =	sld [smem:$0x3FB5];
	_ =	sdelay $0x3  }
0x36: {  	p1 =	seq.s32 s10, $0x1;
	s10 =	sld [smem:$0x3FB6];
	_ =	sdelay $0x3  }
0x37: {  	[smem:$0x3FB6] =	sst s10  }
0x38: {  	s10 =	sld [smem:$0x3FB7]  }
0x39: {  	_ = 	snop;
	(pc) =	sbr.ind lr, $3  }
0x3a: {  	_ = 	snop  }
0x3b: {  	_ = 	snop  }
0x3c: {  	p2 =	seq.s32 s10, $0x1;
	s10 =	sld [smem:$0x3FB6]  }
0x3d: {  	_ =	shalt  }
0x3e: {  	_ =	shalt  }
0x3f: {  	_ =	shalt  }
0x40: {  	_ =	shalt  }
0x41: {  	_ =	shalt  }
0x42: {  	_ =	shalt  }
0x43: {  	_ =	shalt  }
0x44: {  	_ =	shalt  }
0x45: {  	_ =	shalt  }
0x46: {  	_ =	shalt  }
0x47: {  	_ =	shalt  }
0x48: {  	_ =	shalt  }
0x49: {  	_ =	shalt  }
0x4a: {  	_ =	shalt  }
0x4b: {  	_ =	shalt  }
0x4c: {  	_ =	shalt  }
0x4d: {  	_ =	shalt  }
0x4e: {  	_ =	shalt  }
0x4f: {  	_ =	shalt  }
0x50: {  	_ =	shalt  }
0x51: {  	_ =	shalt  }
0x52: {  	_ =	shalt  }
0x53: {  	_ =	shalt  }
0x54: {  	_ =	shalt  }
0x55: {  	_ =	shalt  }
0x56: {  	_ =	shalt  }
0x57: {  	_ =	shalt  }
0x58: {  	_ =	shalt  }
0x59: {  	_ =	shalt  }
0x5a: {  	_ =	shalt  }
0x5b: {  	_ =	shalt  }
0x5c: {  	_ =	shalt  }
0x5d: {  	_ =	shalt  }
0x5e: {  	_ =	shalt  }
0x5f: {  	_ =	shalt  }
0x60: {  	_ =	shalt  }
0x61: {  	_ =	shalt  }
0x62: {  	_ =	shalt  }
0x63: {  	_ =	shalt  }
0x64: {  	_ =	shalt  }
0x65: {  	_ =	shalt  }
0x66: {  	_ =	shalt  }
0x67: {  	_ =	shalt  }
0x68: {  	_ =	shalt  }
0x69: {  	_ =	shalt  }
0x6a: {  	_ =	shalt  }
0x6b: {  	_ =	shalt  }
0x6c: {  	_ =	shalt  }
0x6d: {  	_ =	shalt  }
0x6e: {  	_ =	shalt  }
0x6f: {  	_ =	shalt  }
0x70: {  	_ =	shalt  }
0x71: {  	_ =	shalt  }
0x72: {  	_ =	shalt  }
0x73: {  	_ =	shalt  }
0x74: {  	_ =	shalt  }
0x75: {  	_ =	shalt  }
0x76: {  	_ =	shalt  }
0x77: {  	_ =	shalt  }
0x78: {  	_ =	shalt  }
0x79: {  	_ =	shalt  }
0x7a: {  	_ =	shalt  }
0x7b: {  	_ =	shalt  }
0x7c: {  	_ =	shalt  }
0x7d: {  	_ =	shalt  }
0x7e: {  	_ =	shalt  }
0x7f: {  	_ =	shalt  }
0x80: {  	_ =	shalt  }
0x81: {  	_ =	shalt  }
0x82: {  	_ =	shalt  }
0x83: {  	_ =	shalt  }
0x84: {  	_ =	shalt  }
0x85: {  	_ =	shalt  }
0x86: {  	_ =	shalt  }
0x87: {  	_ =	shalt  }
.Lfunc_end0:
.L_simem_size_0:
called_computation_lowered:
.L_overlay_start_0:
0x88: {  	s2 =	sld [smem:$0x3FD9]  }
0x89: {  	s3 =	sld [smem:$0x3FFE];
	_ =	sdelay $0x1  }
0x8a: {  	s1 =	srdreg.scid  }
0x8b: {  	s0 =	sand.u32 $0x1, s1  }
0x8c: {  	s16 =	sshll.u32 s0, $0xA;
	s2 =	sadd.s32 s3, s2  }
0x8d: {  	s2 =	sadd.s32 s2, s16  }
0x8e: {  	[smem:$0x3FC2] =	sst s2  }
0x8f: {  	_ = 	snop  }
0x90: {  	(tm) =	ssettm $0x1  }
0x91: {  	s17 =	sld [smem:$0x3FFB];
	_ =	sdelay $0x3  }
0x92: {  	_ =	strace s17  }
0x93: {  	s2 =	sld [smem:$0x3FFC];
	_ =	sdelay $0x3  }
0x94: {  	_ =	strace s2  }
0x95: {  	s2 =	sld [smem:$0x3FFD];
	_ =	sdelay $0x3  }
0x96: {  	_ =	strace s2  }
0x97: {  	_ =	strace $0x8FFFFFFF  }
0x98: {  	s18 =	sld [smem:$0x3FDB];
	_ =	sdelay $0x1  }
0x99: {  	s19 =	simm.s32 $_scs_section_size  }
0x9a: {  	s4 =	simm.s32 $_size__tile_overlayer_lowered;
	s5 =	simm.s32 $_tile_overlayer_lowered  }
0x9b: {  	s22 =	simm.s32 $0x1BFF;
	s21 =	sshll.u32 s5, $0x1;
	s2 =	sadd.s32 s19, s18  }
0x9c: {  	s6 =	simm.s32 $0x0;
	s20 =	sshll.u32 s4, $0x1;
	s4 =	sadd.s32 s21, s2  }
0x9d: {  	[timem:s6], [sflag:s22] =	dma.local [hbm:s4], s20  }
0x9e: {  	_ =	swait.ge [sflag:s22], s20  }
0x9f: {  	s3 =	ssub.s32 $0x0, s20;
	[sflag:s22] =	ssyncset.done $0x0  }
0xa0: {  	[sflag:s22] =	ssyncadd.s32 s3;
	_ =	sdelay $0x1  }
0xa1: {  	s23 =	simm.s32 $0x1B8B  }
0xa2: {  	_ =	swait.ge [sflag:s23], $0x1  }
0xa3: {  	[sflag:s23] =	ssyncset.done $0x0  }
0xa4: {  	s25 =	simm.s32 $0x1B8E;
	s24 =	sld [smem:$0x3FFE];
	[sflag:s23] =	ssyncadd.s32 $0xFFFFFFFF  }
0xa5: {  	s26 =	simm.s32 $execute0_lowered;
	[smem:$0x3FD2] =	sst s25  }
0xa6: {  	s4 =	sshll.u32 s26, $0x1;
	_ =	strace $0x80000046;
	[dreg:$0x1] =	wrdreg $0xFFFFFFFF  }
0xa7: {  	s28 =	simm.s32 $_size_execute0_lowered;
	s2 =	sadd.s32 s2, s4;
	[dreg:$0x0] =	wrdreg $0x0  }
0xa8: {  	s4 =	sshll.u32 s28, $0x1;
	[dreg:$0x2] =	wrdreg s2  }
0xa9: {  	[dreg:$0x3] =	wrdreg s4  }
0xaa: {  	[dreg:$0x4] =	wrdreg $0xC0  }
0xab: {  	_ =	task [dreg:s6], $0x5FFFF  }
0xac: {  	[dreg:$0x1] =	wrdreg $0xFFFFFFFF  }
0xad: {  	[dreg:$0x0] =	wrdreg $0x60  }
0xae: {  	[dreg:$0x2] =	wrdreg s24  }
0xaf: {  	[dreg:$0x3] =	wrdreg $0x9  }
0xb0: {  	_ =	task.clear_ibuf [dreg:s6], $0x4FFFF;
	_ =	strace $0x90000046  }
0xb1: {  	s29 =	simm.s32 $0x9;
	_ =	strace $0x80000048  }
0xb2: {  	_ =	swait.ge [sflag:s29], $0x1  }
0xb3: {  	[sflag:s29] =	ssyncadd.s32 $0xFFFFFFFF  }
0xb4: {  	_ =	strace $0x90000048  }
0xb5: {  	_ =	sfence  }
0xb6: {  	s30 =	sld [smem:$0x0];
	_ =	sdelay $0x2  }
0xb7: {  	s31 =	sshll.u32 s1, $0xD;
	s1 =	sshrl.u32 s1, $0x2  }
0xb8: {  	s3 =	sand.u32 $0x4000, s31;
	s1 =	sadd.s32 s1, s30  }
0xb9: {  	s0 =	sor.u32 s3, s0;
	s1 =	sshll.u32 s1, $0x11  }
0xba: {  	s0 =	sor.u32 s1, s0  }
0xbb: {  	s0 =	sadd.s32 $0x8F2B, s0  }
0xbc: {  	[sflag:s0] =	ssyncadd.remote.s32 $0x1  }
0xbd: {  	_ =	sfence.sel $0xFFFF  }
0xbe: {  	[dreg:$0x0] =	wrdreg $0xFFFFFFFF;
	(pc) =	sbr.abs _section_cstart, $3  }
0xbf: {  	[dreg:$0x1] =	wrdreg $0xFFFFFFFF  }
0xc0: {  	_ =	task.clear_ibuf [dreg:s6], $0x2FFFF;
	_ =	strace $0x9FFFFFFF  }
0xc1: {  	(tm) =	ssettm $0x7FFFFFFF  }
tec
execute0_lowered:
.L_overlay_start_1:
0x0: {  	(tag) =	ssettag $0x1  }
0x1: {  	s1 =	srdreg.scid  }
0x2: {  	s0 =	stileid.u32;
	s4 =	rddreg [dreg:$0x0];
	s8 =	simm.s32 $0x1  }
0x3: {  	s9 =	simm.s32 $0x80;
	s10 =	simm.s32 $0x400;
	s11 =	simm.s32 $0x0  }
0x4: {  	s3 =	sand.u32 $0x1, s1;
	s2 =	sshll.u32 s0, $0x1;
	s1 =	rddreg [dreg:$0x1]  }
0x5: {  	s6 =	sshrl.u32 s0, $0x2;
	s5 =	sor.u32 s3, s2;
	s2 =	simm.s32 $0x0  }
0x6: {  	s6 =	smul.u32 $0x14000, s6;
	s30 =	ssub.s32 $0x2, s3;
	s7 =	sshll.u32 s5, $0x7  }
0x7: {  	s3 =	sadd.s32 $0xC800, s4;
	s5 =	smul.u32 $0x500, s5;
	s7 =	sand.u32 $0x380, s7  }
0x8: {  	[smem:$0x7FF] =	sst s2;
	s31 =	sshrl.u32 s30, $0x1;
	s6 =	sor.u32 s6, s7  }
0x9: {  	_ =	strace $0x80000047;
	s5 =	sadd.s32 s5, s4;
	s6 =	sshrl.u32 s6, $0x3  }
0xa: {  	s7 =	ssub.s32 s30, s31;
	s6 =	sadd.s32 s6, s4;
	s4 =	sadd.s32 $0x2800, s5  }
0xb: {  	v0 =	vimm.f32 $1.000000000e+00;
	s5 =	sadd.s32 $0xCE00, s6;
	s6 =	smax.u32 s7, $0x1;
	s7 =	simm.s32 $0x2800  }
.LBB2_1:
0xc: {  	[tilespmem:s7], [sflag:$0x1] =	stream.linear.gather [hbm4b:s3+s2], $0x2800, $0x38;
	[tilespmem:$0x5000] =	vst v63  }
0xd: {  	_ =	swait.ge [sflag:s8], $0x2800  }
0xe: {  	[sflag:s8] =	ssyncset.done $0x0  }
0xf: {  	[sflag:s8] =	ssyncadd.s32 $0xFFFFD800  }
0x10: {  	[tilespmem:s2], [sflag:$0x1] =	stream.linear.gather [hbm4b:s4+s2], $0x2800, $0x38;
	[tilespmem:$0x5000] =	vst v63  }
0x11: {  	_ =	swait.ge [sflag:s8], $0x2800  }
0x12: {  	[sflag:s8] =	ssyncset.done $0x0  }
0x13: {  	s12 =	simm.s32 $0xFFFFFFF8;
	s13 =	simm.s32 $0x40;
	[sflag:s8] =	ssyncadd.s32 $0xFFFFD800  }
.LBB2_2:
0x14: {  	v1 =	vld [tilespmem:s13+$0xFFFFFFC0];
	_ =	sdelay $0x7  }
0x15: {  	[tilespmem:v1+s7+$0x0] =	vst.idx.add.f32.msk $0xffff, v0  }
0x16: {  	v1 =	vld [tilespmem:s13+$0xFFFFFFD0];
	_ =	sdelay $0x7  }
0x17: {  	[tilespmem:v1+s7+$0x0] =	vst.idx.add.f32.msk $0xffff, v0  }
0x18: {  	v1 =	vld [tilespmem:s13+$0xFFFFFFE0];
	_ =	sdelay $0x7  }
0x19: {  	[tilespmem:v1+s7+$0x0] =	vst.idx.add.f32.msk $0xffff, v0  }
0x1a: {  	v1 =	vld [tilespmem:s13+$0xFFFFFFF0];
	_ =	sdelay $0x7  }
0x1b: {  	[tilespmem:v1+s7+$0x0] =	vst.idx.add.f32.msk $0xffff, v0  }
0x1c: {  	v1 =	vld [tilespmem:s13+$0x0];
	_ =	sdelay $0x7  }
0x1d: {  	[tilespmem:v1+s7+$0x0] =	vst.idx.add.f32.msk $0xffff, v0  }
0x1e: {  	v1 =	vld [tilespmem:s13+$0x10];
	_ =	sdelay $0x7  }
0x1f: {  	[tilespmem:v1+s7+$0x0] =	vst.idx.add.f32.msk $0xffff, v0  }
0x20: {  	v1 =	vld [tilespmem:s13+$0x20];
	_ =	sdelay $0x7  }
0x21: {  	[tilespmem:v1+s7+$0x0] =	vst.idx.add.f32.msk $0xffff, v0  }
0x22: {  	v1 =	vld [tilespmem:s13+$0x30];
	_ =	sdelay $0x1  }
0x23: {  	s12 =	sadd.s32 $0x8, s12  }
0x24: {  	p0 =	slt.u32 s12, $0x278  }
.Ltmp0:
0x25: {  	_ = 	snop;
	(pc) =	sbr.rel @p0 .LBB2_2-.Ltmp0, $2  }
0x26: {  	_ =	sdelay $0x2  }
0x27: {  	s13 =	sadd.s32 $0x80, s13;
	[tilespmem:v1+s7+$0x0] =	vst.idx.add.f32.msk $0xffff, v0  }
0x28: {  	s11 =	sadd.s32 $0x1, s11  }
0x29: {  	p0 =	sne.s32 s11, s6  }
.Ltmp1:
0x2a: {  	_ = 	snop;
	(pc) =	sbr.rel @p0 .LBB2_1-.Ltmp1, $4  }
0x2b: {  	[hbm4b:s5+s9] =	stream.strided.scatter [tilespmem:s7], [sflag:$0x1], $0x2800, s10, s9, $0x38;
	[tilespmem:$0x5000] =	vst v63  }
0x2c: {  	_ =	swait.ge [sflag:s8], $0x2800  }
0x2d: {  	[sflag:s8] =	ssyncset.done $0x0  }
0x2e: {  	[sflag:s8] =	ssyncadd.s32 $0xFFFFD800  }
0x2f: {  	_ =	sfence.sel $0x180000  }
0x30: {  	[bflag:$0x0] =	sbarrier.arrive $0xFFFF  }
0x31: {  	p0 =	sne.s32 s0, $0x0;
	_ =	strace $0x90000047  }
0x32: {  	s0 =	sadd.s32 @!p0 $0x100000, s1;
	[bflag:$0x2] =	sbarrier.arrive $0xFFFF  }
0x33: {  	[sflag:s0] =	ssyncadd.tile.s32 @!p0 $0x1;
	_ =	shalt  }
.Lfunc_end2:
_tile_overlayer_lowered:
.L_overlay_start_2:
0x34: {  	(tag) =	ssettag $0x2  }
0x35: {  	s0 =	rddreg [dreg:$0x0];
	s2 =	stileid.u32  }
0x36: {  	s1 =	rddreg [dreg:$0x1];
	p0 =	sne.s32 s2, $0x0  }
0x37: {  	s3 =	rddreg [dreg:$0x2];
	[bflag:$0x3] =	sbarrier.arrive $0xFFFF;
	s2 =	simm.s32 @!p0 $0x1C01  }
0x38: {  	[timem:s3], [sflag:s2] =	dma.local @!p0 [hbm:s0], s1  }
0x39: {  	s0 =	simm.s32 @!p0 $0x1  }
0x3a: {  	_ =	swait.ge @!p0 [sflag:s0], s1  }
0x3b: {  	s1 =	ssub.s32 @!p0 $0x0, s1;
	[sflag:s0] =	ssyncset.done @!p0 $0x0  }
0x3c: {  	[sflag:s0] =	ssyncadd.s32 @!p0 s1  }
0x3d: {  	[bflag:$0x3] =	sbarrier.arrive $0xFFFF  }
0x3e: {  	_ =	shalt  }

</sc_bundles>
